<compile_context>
chip_gen: v7x
topology: tpu7x:2x2x1
jax: 0.10.2.dev20260603
libtpu: 0.0.44.dev20260713+nightly
codegen_flags: <defaults>
</compile_context>

<pallas_src>
import functools

import jax
import jax.numpy as jnp
from jax import lax
from jax.experimental import pallas as pl
from jax.experimental.pallas import tpu as pltpu
from jax.experimental.pallas import tpu_sc as plsc

B, H, W, C = 4, 192, 192, 96
OUT_H, OUT_W = 2 * H, 2 * W
NUPD = H * W * C
POUT = OUT_H * OUT_W * C
NREG = 8
RSZ = POUT // NREG
PAD = 256
NSUB = 16
PER_TILE = NUPD // NSUB
CH = 1536
NCH = PER_TILE // CH
ZPT = RSZ // NSUB
NZ = ZPT // CH
NG = CH // 96
NB = 4

_mesh = plsc.VectorSubcoreMesh(core_axis_name="c", subcore_axis_name="s")


@functools.partial(
    pl.kernel,
    mesh=_mesh,
    out_type=jax.ShapeDtypeStruct((B * POUT,), jnp.float32),
    scratch_types=[
        [pltpu.VMEM((CH,), jnp.int32)] * NB,
        [pltpu.VMEM((CH,), jnp.float32)] * NB,
        [pltpu.VMEM((CH,), jnp.int32)] * NB,
        pltpu.VMEM((CH,), jnp.float32),
        pltpu.VMEM_SHARED((RSZ + PAD,), jnp.float32),
        [pltpu.SemaphoreType.DMA] * NB,
        [pltpu.SemaphoreType.DMA] * NB,
        pltpu.SemaphoreType.DMA,
        pltpu.SemaphoreType.DMA,
        pltpu.SemaphoreType.DMA,
    ],
)
def _unpool(feat_hbm, idx_hbm, out_hbm, idx_v, feat_v, off_v, zero_v, acc,
            sem_li, sem_lf, sem_sc, sem_z, sem_w):
    core = lax.axis_index("c")
    sub = lax.axis_index("s")
    third = jnp.float32(1.0) / jnp.float32(3.0)
    iota = lax.iota(jnp.int32, 16)
    dump = jnp.int32(RSZ) + sub * 16 + iota

    def zfill(i, carry):
        zero_v[pl.ds(i * 16, 16)] = jnp.zeros((16,), jnp.float32)
        return carry

    lax.fori_loop(0, CH // 16, zfill, 0)

    def one_pass(b, rr):
        rbase = (core * (NREG // 2) + rr) * RSZ
        base_in = b * NUPD + sub * PER_TILE
        cvec = [iota + (16 * k - rbase) for k in range(6)]

        def load(g, slot):
            pltpu.async_copy(
                idx_hbm.at[pl.ds(base_in + g * CH, CH)], idx_v[slot],
                sem_li[slot])
            pltpu.async_copy(
                feat_hbm.at[pl.ds(base_in + g * CH, CH)], feat_v[slot],
                sem_lf[slot])

        load(0, 0)

        def zero_issue(k, carry):
            pltpu.async_copy(zero_v, acc.at[pl.ds(sub * ZPT + k * CH, CH)],
                             sem_z)
            return carry

        lax.fori_loop(0, NZ, zero_issue, 0)

        def zero_drain(k, carry):
            pltpu.make_async_copy(
                zero_v, acc.at[pl.ds(sub * ZPT + k * CH, CH)], sem_z).wait()
            return carry

        lax.fori_loop(0, NZ, zero_drain, 0)
        plsc.subcore_barrier()

        def chunk_quad(m, carry):
            for r in range(NB):
                g = m * NB + r

                @pl.when(g >= NB - 1)
                def _():
                    pltpu.make_async_copy(
                        feat_v[(r + 1) % NB], acc.at[off_v[(r + 1) % NB]],
                        sem_sc).wait()

                @pl.when(g + 1 < NCH)
                def _():
                    load(g + 1, (r + 1) % NB)

                pltpu.make_async_copy(
                    idx_hbm.at[pl.ds(base_in + g * CH, CH)], idx_v[r],
                    sem_li[r]).wait()
                pltpu.make_async_copy(
                    feat_hbm.at[pl.ds(base_in + g * CH, CH)], feat_v[r],
                    sem_lf[r]).wait()

                def group(j, c2):
                    o = j * 96
                    for k in range(6):
                        iv = idx_v[r][pl.ds(o + k * 16, 16)]
                        a = lax.shift_right_logical(iv, 5)
                        q = (a.astype(jnp.float32) * third).astype(jnp.int32)
                        off = q * 96 + cvec[k]
                        valid = plsc.bitcast(off, jnp.uint32) < jnp.uint32(RSZ)
                        off_v[r][pl.ds(o + k * 16, 16)] = jnp.where(
                            valid, off, dump)
                    return c2

                lax.fori_loop(0, NG, group, 0)
                pltpu.async_copy(feat_v[r], acc.at[off_v[r]], sem_sc,
                                 add=True)
            return carry

        lax.fori_loop(0, NCH // NB, chunk_quad, 0)
        for r in range(NB - 1):
            pltpu.make_async_copy(feat_v[r], acc.at[off_v[r]], sem_sc).wait()
        plsc.subcore_barrier()

        out_base = b * POUT + rbase + sub * ZPT
        pltpu.async_copy(acc.at[pl.ds(sub * ZPT, ZPT)],
                         out_hbm.at[pl.ds(out_base, ZPT)], sem_w)
        pltpu.make_async_copy(acc.at[pl.ds(sub * ZPT, ZPT)],
                              out_hbm.at[pl.ds(out_base, ZPT)], sem_w).wait()
        plsc.subcore_barrier()

    def batch_loop(b, carry):
        def region_loop(rr, c2):
            one_pass(b, rr)
            return c2

        lax.fori_loop(0, NREG // 2, region_loop, 0)
        return carry

    lax.fori_loop(0, B, batch_loop, 0)


def kernel(features, idxs):
    out_flat = _unpool(features.reshape(-1), idxs.reshape(-1))
    return out_flat.reshape(B, OUT_H, OUT_W, C)

# --- scband reference (transcript-rebuilt; emitter-appended) ---
"""Pipeline reference for scband-max-unpooling2-d-91044716741200 (READ-ONLY COPY).

The authoritative reference and input builder live on the scoring server;
editing this copy changes nothing except your own understanding.
"""

import jax, jax.numpy as jnp
import numpy as np

B, H, W, C = 4, 192, 192, 96
SIZE = (2, 2)
OUT_H, OUT_W = H * SIZE[0], W * SIZE[1]
IDX_MAX = OUT_H * OUT_W * C


def setup_inputs(seed: int = 0) -> dict:
    key = jax.random.key(seed)
    kf, ki = jax.random.split(key)
    features = jax.random.normal(kf, (B, H, W, C), dtype=jnp.float32)
    idxs = jax.random.randint(ki, (B, H, W, C), 0, IDX_MAX, dtype=jnp.int32)
    return {"features": features, "idxs": idxs}


def reference(features, idxs):
    b_, h_, w_, c_ = features.shape
    sh, sw = SIZE
    out_h, out_w = h_ * sh, w_ * sw
    idxs_flat = idxs.reshape(-1)
    b = jnp.repeat(jnp.arange(b_, dtype=idxs_flat.dtype), h_ * w_ * c_)
    y = idxs_flat // (out_w * c_)
    x = (idxs_flat // c_) % out_w
    c = jnp.tile(jnp.arange(c_, dtype=idxs_flat.dtype), b_ * h_ * w_)
    updates = features.reshape(-1)
    out = jnp.zeros((b_, out_h, out_w, c_), dtype=features.dtype)
    out = out.at[b, y, x, c].add(updates)
    return out

if __name__ == "__main__":
    import jax
    _d = setup_inputs()
    print(jax.jit(kernel)(*tuple(_d.values())))

</pallas_src>

<mosaic_0001>
#map = affine_map<(d0, d1) -> (0)>
module attributes {stable_mosaic.version = 14 : i64} {
  func.func @_unpool(%arg0: i32, %arg1: i32, %arg2: memref<14155776xf32, #tpu.memory_space<hbm>>, %arg3: memref<14155776xi32, #tpu.memory_space<hbm>>, %arg4: memref<56623104xf32, #tpu.memory_space<hbm>>, %arg5: memref<1536xi32, #tpu.memory_space<vmem>>, %arg6: memref<1536xi32, #tpu.memory_space<vmem>>, %arg7: memref<1536xi32, #tpu.memory_space<vmem>>, %arg8: memref<1536xi32, #tpu.memory_space<vmem>>, %arg9: memref<1536xf32, #tpu.memory_space<vmem>>, %arg10: memref<1536xf32, #tpu.memory_space<vmem>>, %arg11: memref<1536xf32, #tpu.memory_space<vmem>>, %arg12: memref<1536xf32, #tpu.memory_space<vmem>>, %arg13: memref<1536xi32, #tpu.memory_space<vmem>>, %arg14: memref<1536xi32, #tpu.memory_space<vmem>>, %arg15: memref<1536xi32, #tpu.memory_space<vmem>>, %arg16: memref<1536xi32, #tpu.memory_space<vmem>>, %arg17: memref<1536xf32, #tpu.memory_space<vmem>>, %arg18: memref<1769728xf32, #tpu.memory_space<vmem_shared>>, %arg19: memref<!tpu.dma_semaphore, #tpu.memory_space<semaphore_mem>>, %arg20: memref<!tpu.dma_semaphore, #tpu.memory_space<semaphore_mem>>, %arg21: memref<!tpu.dma_semaphore, #tpu.memory_space<semaphore_mem>>, %arg22: memref<!tpu.dma_semaphore, #tpu.memory_space<semaphore_mem>>, %arg23: memref<!tpu.dma_semaphore, #tpu.memory_space<semaphore_mem>>, %arg24: memref<!tpu.dma_semaphore, #tpu.memory_space<semaphore_mem>>, %arg25: memref<!tpu.dma_semaphore, #tpu.memory_space<semaphore_mem>>, %arg26: memref<!tpu.dma_semaphore, #tpu.memory_space<semaphore_mem>>, %arg27: memref<!tpu.dma_semaphore, #tpu.memory_space<semaphore_mem>>, %arg28: memref<!tpu.dma_semaphore, #tpu.memory_space<semaphore_mem>>, %arg29: memref<!tpu.dma_semaphore, #tpu.memory_space<semaphore_mem>>) attributes {dimension_semantics = [#tpu.dimension_semantics<core_parallel>, #tpu.dimension_semantics<subcore_parallel>], iteration_bounds = array<i64: 2, 16>, scalar_prefetch = 0 : i64, scratch_operands = 25 : i64, tpu.core_type = #tpu.core_type<sc_vector_subcore>, window_params = [{transform_indices = #map}, {transform_indices = #map}, {transform_indices = #map}]} {
    %div3A = arith.constant 1.000000e+00 : f32
    %div3A_0 = arith.constant 3.000000e+00 : f32
    %div3A_1 = arith.divf %div3A, %div3A_0 : f32
    %iota3A = tpu.iota {dimensions = array<i32: 0>} : vector<16xi32>
    %mul3A = arith.constant 16 : i32
    %mul3A_2 = arith.muli %arg1, %mul3A : i32
    %add3A = arith.constant 1769472 : i32
    %add3A_3 = arith.addi %add3A, %mul3A_2 : i32
    %add3A_4 = vector.broadcast %add3A_3 : i32 to vector<16xi32>
    %add3A_5 = arith.addi %add3A_4, %iota3A : vector<16xi32>
    %scan3A = arith.constant 0 : i32
    %scan3A_6 = arith.constant 0 : i32
    %scan3A_7 = arith.constant 96 : i32
    %scan3A_8 = arith.addi %scan3A_6, %scan3A_7 : i32
    %scan3A_9 = arith.constant 1 : i32
    scf.for %scan3A_17 = %scan3A_6 to %scan3A_8 step %scan3A_9  : i32 {
      %broadcast_in_dim3A = arith.constant 0.000000e+00 : f32
      %broadcast_in_dim3A_18 = vector.broadcast %broadcast_in_dim3A : f32 to vector<16xf32>
      %mul3A_19 = arith.constant 16 : i32
      %mul3A_20 = arith.muli %scan3A_17, %mul3A_19 : i32
      %swap3A = arith.index_cast %mul3A_20 : i32 to index
      %swap3A_21 = tpu.vector_load %arg17[%swap3A] {strides = array<i32>} : memref<1536xf32, #tpu.memory_space<vmem>>, vector<16xf32>,
      %swap3A_22 = vector.shape_cast %swap3A_21 : vector<16xf32> to vector<16xf32>
      %swap3A_23 = vector.shape_cast %broadcast_in_dim3A_18 : vector<16xf32> to vector<16xf32>
      tpu.vector_store %arg17[%swap3A], %swap3A_23 {strides = array<i32>} : memref<1536xf32, #tpu.memory_space<vmem>>, vector<16xf32>,
    }
    %scan3A_10 = arith.constant 96 : i32
    %scan3A_11 = arith.constant 0 : i32
    %scan3A_12 = arith.constant 0 : i32
    %scan3A_13 = arith.constant 4 : i32
    %scan3A_14 = arith.addi %scan3A_12, %scan3A_13 : i32
    %scan3A_15 = arith.constant 1 : i32
    scf.for %scan3A_17 = %scan3A_12 to %scan3A_14 step %scan3A_15  : i32 {
      %scan3A_18 = arith.constant 0 : i32
      %scan3A_19 = arith.constant 0 : i32
      %scan3A_20 = arith.constant 4 : i32
      %scan3A_21 = arith.addi %scan3A_19, %scan3A_20 : i32
      %scan3A_22 = arith.constant 1 : i32
      scf.for %scan3A_24 = %scan3A_19 to %scan3A_21 step %scan3A_22  : i32 {
        %mul3A_25 = arith.constant 4 : i32
        %mul3A_26 = arith.muli %arg0, %mul3A_25 : i32
        %add3A_27 = arith.addi %mul3A_26, %scan3A_24 : i32
        %mul3A_28 = arith.constant 1769472 : i32
        %mul3A_29 = arith.muli %add3A_27, %mul3A_28 : i32
        %mul3A_30 = arith.constant 3538944 : i32
        %mul3A_31 = arith.muli %scan3A_17, %mul3A_30 : i32
        %mul3A_32 = arith.constant 221184 : i32
        %mul3A_33 = arith.muli %arg1, %mul3A_32 : i32
        %add3A_34 = arith.addi %mul3A_31, %mul3A_33 : i32
        %sub3A = arith.constant 0 : i32
        %sub3A_35 = arith.subi %sub3A, %mul3A_29 : i32
        %add3A_36 = vector.broadcast %sub3A_35 : i32 to vector<16xi32>
        %add3A_37 = arith.addi %iota3A, %add3A_36 : vector<16xi32>
        %sub3A_38 = arith.constant 16 : i32
        %sub3A_39 = arith.subi %sub3A_38, %mul3A_29 : i32
        %add3A_40 = vector.broadcast %sub3A_39 : i32 to vector<16xi32>
        %add3A_41 = arith.addi %iota3A, %add3A_40 : vector<16xi32>
        %sub3A_42 = arith.constant 32 : i32
        %sub3A_43 = arith.subi %sub3A_42, %mul3A_29 : i32
        %add3A_44 = vector.broadcast %sub3A_43 : i32 to vector<16xi32>
        %add3A_45 = arith.addi %iota3A, %add3A_44 : vector<16xi32>
        %sub3A_46 = arith.constant 48 : i32
        %sub3A_47 = arith.subi %sub3A_46, %mul3A_29 : i32
        %add3A_48 = vector.broadcast %sub3A_47 : i32 to vector<16xi32>
        %add3A_49 = arith.addi %iota3A, %add3A_48 : vector<16xi32>
        %sub3A_50 = arith.constant 64 : i32
        %sub3A_51 = arith.subi %sub3A_50, %mul3A_29 : i32
        %add3A_52 = vector.broadcast %sub3A_51 : i32 to vector<16xi32>
        %add3A_53 = arith.addi %iota3A, %add3A_52 : vector<16xi32>
        %sub3A_54 = arith.constant 80 : i32
        %sub3A_55 = arith.subi %sub3A_54, %mul3A_29 : i32
        %add3A_56 = vector.broadcast %sub3A_55 : i32 to vector<16xi32>
        %add3A_57 = arith.addi %iota3A, %add3A_56 : vector<16xi32>
        %add3A_58 = arith.constant 0 : i32
        %add3A_59 = arith.addi %add3A_34, %add3A_58 : i32
        %dma_start3A = tpu.memref_slice %arg3[%add3A_59] : memref<14155776xi32, #tpu.memory_space<hbm>> -> memref<1536xi32, #tpu.memory_space<hbm>>
        %dma_start3A_60 = tpu.memref_slice %arg3[%add3A_59] : memref<14155776xi32, #tpu.memory_space<hbm>> -> memref<1536xi32, #tpu.memory_space<hbm>>
        tpu.enqueue_dma source(%dma_start3A_60 : memref<1536xi32, #tpu.memory_space<hbm>>) target(%arg5 : memref<1536xi32, #tpu.memory_space<vmem>>) target_semaphore(%arg19 : memref<!tpu.dma_semaphore, #tpu.memory_space<semaphore_mem>>)
        %add3A_61 = arith.constant 0 : i32
        %add3A_62 = arith.addi %add3A_34, %add3A_61 : i32
        %dma_start3A_63 = tpu.memref_slice %arg2[%add3A_62] : memref<14155776xf32, #tpu.memory_space<hbm>> -> memref<1536xf32, #tpu.memory_space<hbm>>
        %dma_start3A_64 = tpu.memref_slice %arg2[%add3A_62] : memref<14155776xf32, #tpu.memory_space<hbm>> -> memref<1536xf32, #tpu.memory_space<hbm>>
        tpu.enqueue_dma source(%dma_start3A_64 : memref<1536xf32, #tpu.memory_space<hbm>>) target(%arg9 : memref<1536xf32, #tpu.memory_space<vmem>>) target_semaphore(%arg23 : memref<!tpu.dma_semaphore, #tpu.memory_space<semaphore_mem>>)
        %scan3A_65 = arith.constant 0 : i32
        %scan3A_66 = arith.constant 0 : i32
        %scan3A_67 = arith.constant 72 : i32
        %scan3A_68 = arith.addi %scan3A_66, %scan3A_67 : i32
        %scan3A_69 = arith.constant 1 : i32
        scf.for %scan3A_104 = %scan3A_66 to %scan3A_68 step %scan3A_69  : i32 {
          %mul3A_105 = arith.constant 110592 : i32
          %mul3A_106 = arith.muli %arg1, %mul3A_105 : i32
          %mul3A_107 = arith.constant 1536 : i32
          %mul3A_108 = arith.muli %scan3A_104, %mul3A_107 : i32
          %add3A_109 = arith.addi %mul3A_106, %mul3A_108 : i32
          %dma_start3A_110 = tpu.memref_slice %arg18[%add3A_109] : memref<1769728xf32, #tpu.memory_space<vmem_shared>> -> memref<1536xf32, #tpu.memory_space<vmem_shared>>
          %dma_start3A_111 = tpu.memref_slice %arg18[%add3A_109] : memref<1769728xf32, #tpu.memory_space<vmem_shared>> -> memref<1536xf32, #tpu.memory_space<vmem_shared>>
          tpu.enqueue_dma source(%arg17 : memref<1536xf32, #tpu.memory_space<vmem>>) target(%dma_start3A_111 : memref<1536xf32, #tpu.memory_space<vmem_shared>>) target_semaphore(%arg28 : memref<!tpu.dma_semaphore, #tpu.memory_space<semaphore_mem>>)
        }
        %scan3A_70 = arith.constant 72 : i32
        %scan3A_71 = arith.constant 0 : i32
        %scan3A_72 = arith.constant 0 : i32
        %scan3A_73 = arith.constant 72 : i32
        %scan3A_74 = arith.addi %scan3A_72, %scan3A_73 : i32
        %scan3A_75 = arith.constant 1 : i32
        scf.for %scan3A_104 = %scan3A_72 to %scan3A_74 step %scan3A_75  : i32 {
          %mul3A_105 = arith.constant 110592 : i32
          %mul3A_106 = arith.muli %arg1, %mul3A_105 : i32
          %mul3A_107 = arith.constant 1536 : i32
          %mul3A_108 = arith.muli %scan3A_104, %mul3A_107 : i32
          %add3A_109 = arith.addi %mul3A_106, %mul3A_108 : i32
          %dma_wait3A_110 = tpu.memref_slice %arg18[%add3A_109] : memref<1769728xf32, #tpu.memory_space<vmem_shared>> -> memref<1536xf32, #tpu.memory_space<vmem_shared>>
          %dma_wait3A_111 = tpu.memref_slice %arg18[%add3A_109] : memref<1769728xf32, #tpu.memory_space<vmem_shared>> -> memref<1536xf32, #tpu.memory_space<vmem_shared>>
          tpu.wait_dma2 semaphore(%arg28 : memref<!tpu.dma_semaphore, #tpu.memory_space<semaphore_mem>>) src(%arg17 : memref<1536xf32, #tpu.memory_space<vmem>>) dst(%dma_wait3A_111 : memref<1536xf32, #tpu.memory_space<vmem_shared>>)
        }
        %scan3A_76 = arith.constant 72 : i32
        %barrier3A = arith.constant 0 : index
        tpu.barrier barrier_id(%barrier3A)
        %scan3A_77 = arith.constant 0 : i32
        %scan3A_78 = arith.constant 0 : i32
        %scan3A_79 = arith.constant 36 : i32
        %scan3A_80 = arith.addi %scan3A_78, %scan3A_79 : i32
        %scan3A_81 = arith.constant 1 : i32
        scf.for %scan3A_104 = %scan3A_78 to %scan3A_80 step %scan3A_81  : i32 {
          %mul3A_105 = arith.constant 4 : i32
          %mul3A_106 = arith.muli %scan3A_104, %mul3A_105 : i32
          %add3A_107 = arith.constant 0 : i32
          %add3A_108 = arith.addi %mul3A_106, %add3A_107 : i32
          %ge3A = arith.constant 3 : i32
          %ge3A_109 = arith.cmpi sge, %add3A_108, %ge3A : i32
          %convert_element_type3A = arith.extui %ge3A_109 : i1 to i32
          %cond3A = arith.constant 0 : i32
          %cond3A_110 = arith.cmpi ne, %convert_element_type3A, %cond3A : i32
          scf.if %cond3A_110 {
            %dma_wait3A_237 = arith.constant 0 : i32
            %dma_wait3A_238 = tpu.memref_slice %arg18[%dma_wait3A_237] : memref<1769728xf32, #tpu.memory_space<vmem_shared>> -> memref<1769728xf32, #tpu.memory_space<vmem_shared>>
            tpu.wait_indirect_dma semaphore(%arg27 : memref<!tpu.dma_semaphore, #tpu.memory_space<semaphore_mem>>) src(%arg10 : memref<1536xf32, #tpu.memory_space<vmem>>) dst(%dma_wait3A_238 : memref<1769728xf32, #tpu.memory_space<vmem_shared>>)
          } else {
          }
          %add3A_111 = arith.constant 1 : i32
          %add3A_112 = arith.addi %add3A_108, %add3A_111 : i32
          %lt3A = arith.constant 144 : i32
          %lt3A_113 = arith.cmpi slt, %add3A_112, %lt3A : i32
          %convert_element_type3A_114 = arith.extui %lt3A_113 : i1 to i32
          %cond3A_115 = arith.constant 0 : i32
          %cond3A_116 = arith.cmpi ne, %convert_element_type3A_114, %cond3A_115 : i32
          scf.if %cond3A_116 {
            %add3A_237 = arith.constant 1 : i32
            %add3A_238 = arith.addi %add3A_108, %add3A_237 : i32
            %mul3A_239 = arith.constant 1536 : i32
            %mul3A_240 = arith.muli %add3A_238, %mul3A_239 : i32
            %add3A_241 = arith.addi %add3A_34, %mul3A_240 : i32
            %dma_start3A_242 = tpu.memref_slice %arg3[%add3A_241] : memref<14155776xi32, #tpu.memory_space<hbm>> -> memref<1536xi32, #tpu.memory_space<hbm>>
            %dma_start3A_243 = tpu.memref_slice %arg3[%add3A_241] : memref<14155776xi32, #tpu.memory_space<hbm>> -> memref<1536xi32, #tpu.memory_space<hbm>>
            tpu.enqueue_dma source(%dma_start3A_243 : memref<1536xi32, #tpu.memory_space<hbm>>) target(%arg6 : memref<1536xi32, #tpu.memory_space<vmem>>) target_semaphore(%arg20 : memref<!tpu.dma_semaphore, #tpu.memory_space<semaphore_mem>>)
            %mul3A_244 = arith.constant 1536 : i32
            %mul3A_245 = arith.muli %add3A_238, %mul3A_244 : i32
            %add3A_246 = arith.addi %add3A_34, %mul3A_245 : i32
            %dma_start3A_247 = tpu.memref_slice %arg2[%add3A_246] : memref<14155776xf32, #tpu.memory_space<hbm>> -> memref<1536xf32, #tpu.memory_space<hbm>>
            %dma_start3A_248 = tpu.memref_slice %arg2[%add3A_246] : memref<14155776xf32, #tpu.memory_space<hbm>> -> memref<1536xf32, #tpu.memory_space<hbm>>
            tpu.enqueue_dma source(%dma_start3A_248 : memref<1536xf32, #tpu.memory_space<hbm>>) target(%arg10 : memref<1536xf32, #tpu.memory_space<vmem>>) target_semaphore(%arg24 : memref<!tpu.dma_semaphore, #tpu.memory_space<semaphore_mem>>)
          } else {
          }
          %mul3A_117 = arith.constant 1536 : i32
          %mul3A_118 = arith.muli %add3A_108, %mul3A_117 : i32
          %add3A_119 = arith.addi %add3A_34, %mul3A_118 : i32
          %dma_wait3A_120 = tpu.memref_slice %arg3[%add3A_119] : memref<14155776xi32, #tpu.memory_space<hbm>> -> memref<1536xi32, #tpu.memory_space<hbm>>
          %dma_wait3A_121 = tpu.memref_slice %arg3[%add3A_119] : memref<14155776xi32, #tpu.memory_space<hbm>> -> memref<1536xi32, #tpu.memory_space<hbm>>
          tpu.wait_dma2 semaphore(%arg19 : memref<!tpu.dma_semaphore, #tpu.memory_space<semaphore_mem>>) src(%dma_wait3A_121 : memref<1536xi32, #tpu.memory_space<hbm>>) dst(%arg5 : memref<1536xi32, #tpu.memory_space<vmem>>)
          %mul3A_122 = arith.constant 1536 : i32
          %mul3A_123 = arith.muli %add3A_108, %mul3A_122 : i32
          %add3A_124 = arith.addi %add3A_34, %mul3A_123 : i32
          %dma_wait3A_125 = tpu.memref_slice %arg2[%add3A_124] : memref<14155776xf32, #tpu.memory_space<hbm>> -> memref<1536xf32, #tpu.memory_space<hbm>>
          %dma_wait3A_126 = tpu.memref_slice %arg2[%add3A_124] : memref<14155776xf32, #tpu.memory_space<hbm>> -> memref<1536xf32, #tpu.memory_space<hbm>>
          tpu.wait_dma2 semaphore(%arg23 : memref<!tpu.dma_semaphore, #tpu.memory_space<semaphore_mem>>) src(%dma_wait3A_126 : memref<1536xf32, #tpu.memory_space<hbm>>) dst(%arg9 : memref<1536xf32, #tpu.memory_space<vmem>>)
          %scan3A_127 = arith.constant 0 : i32
          %scan3A_128 = arith.constant 0 : i32
          %scan3A_129 = arith.constant 16 : i32
          %scan3A_130 = arith.addi %scan3A_128, %scan3A_129 : i32
          %scan3A_131 = arith.constant 1 : i32
          scf.for %scan3A_237 = %scan3A_128 to %scan3A_130 step %scan3A_131  : i32 {
            %mul3A_238 = arith.constant 96 : i32
            %mul3A_239 = arith.muli %scan3A_237, %mul3A_238 : i32
            %add3A_240 = arith.constant 0 : i32
            %add3A_241 = arith.addi %mul3A_239, %add3A_240 : i32
            %get3A = arith.index_cast %add3A_241 : i32 to index
            %get3A_242 = tpu.vector_load %arg5[%get3A] {strides = array<i32>} : memref<1536xi32, #tpu.memory_space<vmem>>, vector<16xi32>,
            %get3A_243 = vector.shape_cast %get3A_242 : vector<16xi32> to vector<16xi32>
            %shift_right_logical3A = arith.constant 5 : i32
            %shift_right_logical3A_244 = vector.broadcast %shift_right_logical3A : i32 to vector<16xi32>
            %shift_right_logical3A_245 = arith.shrui %get3A_243, %shift_right_logical3A_244 : vector<16xi32>
            %convert_element_type3A_246 = arith.sitofp %shift_right_logical3A_245 : vector<16xi32> to vector<16xf32>
            %mul3A_247 = vector.broadcast %div3A_1 : f32 to vector<16xf32>
            %mul3A_248 = arith.mulf %convert_element_type3A_246, %mul3A_247 : vector<16xf32>
            %convert_element_type3A_249 = arith.fptosi %mul3A_248 : vector<16xf32> to vector<16xi32>
            %mul3A_250 = arith.constant 96 : i32
            %mul3A_251 = vector.broadcast %mul3A_250 : i32 to vector<16xi32>
            %mul3A_252 = arith.muli %convert_element_type3A_249, %mul3A_251 : vector<16xi32>
            %add3A_253 = arith.addi %mul3A_252, %add3A_37 : vector<16xi32>
            %bitcast3A = vector.bitcast %add3A_253 : vector<16xi32> to vector<16xi32>
            %lt3A_254 = arith.constant 1769472 : i32
            %lt3A_255 = vector.broadcast %lt3A_254 : i32 to vector<16xi32>
            %lt3A_256 = arith.cmpi ult, %bitcast3A, %lt3A_255 : vector<16xi32>
            %select_n3A = arith.select %lt3A_256, %add3A_253, %add3A_5 : vector<16xi1>, vector<16xi32>
            %add3A_257 = arith.constant 0 : i32
            %add3A_258 = arith.addi %mul3A_239, %add3A_257 : i32
            %swap3A = arith.index_cast %add3A_258 : i32 to index
            %swap3A_259 = tpu.vector_load %arg13[%swap3A] {strides = array<i32>} : memref<1536xi32, #tpu.memory_space<vmem>>, vector<16xi32>,
            %swap3A_260 = vector.shape_cast %swap3A_259 : vector<16xi32> to vector<16xi32>
            %swap3A_261 = vector.shape_cast %select_n3A : vector<16xi32> to vector<16xi32>
            tpu.vector_store %arg13[%swap3A], %swap3A_261 {strides = array<i32>} : memref<1536xi32, #tpu.memory_space<vmem>>, vector<16xi32>,
            %add3A_262 = arith.constant 16 : i32
            %add3A_263 = arith.addi %mul3A_239, %add3A_262 : i32
            %get3A_264 = arith.index_cast %add3A_263 : i32 to index
            %get3A_265 = tpu.vector_load %arg5[%get3A_264] {strides = array<i32>} : memref<1536xi32, #tpu.memory_space<vmem>>, vector<16xi32>,
            %get3A_266 = vector.shape_cast %get3A_265 : vector<16xi32> to vector<16xi32>
            %shift_right_logical3A_267 = arith.constant 5 : i32
            %shift_right_logical3A_268 = vector.broadcast %shift_right_logical3A_267 : i32 to vector<16xi32>
            %shift_right_logical3A_269 = arith.shrui %get3A_266, %shift_right_logical3A_268 : vector<16xi32>
            %convert_element_type3A_270 = arith.sitofp %shift_right_logical3A_269 : vector<16xi32> to vector<16xf32>
            %mul3A_271 = vector.broadcast %div3A_1 : f32 to vector<16xf32>
            %mul3A_272 = arith.mulf %convert_element_type3A_270, %mul3A_271 : vector<16xf32>
            %convert_element_type3A_273 = arith.fptosi %mul3A_272 : vector<16xf32> to vector<16xi32>
            %mul3A_274 = arith.constant 96 : i32
            %mul3A_275 = vector.broadcast %mul3A_274 : i32 to vector<16xi32>
            %mul3A_276 = arith.muli %convert_element_type3A_273, %mul3A_275 : vector<16xi32>
            %add3A_277 = arith.addi %mul3A_276, %add3A_41 : vector<16xi32>
            %bitcast3A_278 = vector.bitcast %add3A_277 : vector<16xi32> to vector<16xi32>
            %lt3A_279 = arith.constant 1769472 : i32
            %lt3A_280 = vector.broadcast %lt3A_279 : i32 to vector<16xi32>
            %lt3A_281 = arith.cmpi ult, %bitcast3A_278, %lt3A_280 : vector<16xi32>
            %select_n3A_282 = arith.select %lt3A_281, %add3A_277, %add3A_5 : vector<16xi1>, vector<16xi32>
            %add3A_283 = arith.constant 16 : i32
            %add3A_284 = arith.addi %mul3A_239, %add3A_283 : i32
            %swap3A_285 = arith.index_cast %add3A_284 : i32 to index
            %swap3A_286 = tpu.vector_load %arg13[%swap3A_285] {strides = array<i32>} : memref<1536xi32, #tpu.memory_space<vmem>>, vector<16xi32>,
            %swap3A_287 = vector.shape_cast %swap3A_286 : vector<16xi32> to vector<16xi32>
            %swap3A_288 = vector.shape_cast %select_n3A_282 : vector<16xi32> to vector<16xi32>
            tpu.vector_store %arg13[%swap3A_285], %swap3A_288 {strides = array<i32>} : memref<1536xi32, #tpu.memory_space<vmem>>, vector<16xi32>,
            %add3A_289 = arith.constant 32 : i32
            %add3A_290 = arith.addi %mul3A_239, %add3A_289 : i32
            %get3A_291 = arith.index_cast %add3A_290 : i32 to index
            %get3A_292 = tpu.vector_load %arg5[%get3A_291] {strides = array<i32>} : memref<1536xi32, #tpu.memory_space<vmem>>, vector<16xi32>,
            %get3A_293 = vector.shape_cast %get3A_292 : vector<16xi32> to vector<16xi32>
            %shift_right_logical3A_294 = arith.constant 5 : i32
            %shift_right_logical3A_295 = vector.broadcast %shift_right_logical3A_294 : i32 to vector<16xi32>
            %shift_right_logical3A_296 = arith.shrui %get3A_293, %shift_right_logical3A_295 : vector<16xi32>
            %convert_element_type3A_297 = arith.sitofp %shift_right_logical3A_296 : vector<16xi32> to vector<16xf32>
            %mul3A_298 = vector.broadcast %div3A_1 : f32 to vector<16xf32>
            %mul3A_299 = arith.mulf %convert_element_type3A_297, %mul3A_298 : vector<16xf32>
            %convert_element_type3A_300 = arith.fptosi %mul3A_299 : vector<16xf32> to vector<16xi32>
            %mul3A_301 = arith.constant 96 : i32
            %mul3A_302 = vector.broadcast %mul3A_301 : i32 to vector<16xi32>
            %mul3A_303 = arith.muli %convert_element_type3A_300, %mul3A_302 : vector<16xi32>
            %add3A_304 = arith.addi %mul3A_303, %add3A_45 : vector<16xi32>
            %bitcast3A_305 = vector.bitcast %add3A_304 : vector<16xi32> to vector<16xi32>
            %lt3A_306 = arith.constant 1769472 : i32
            %lt3A_307 = vector.broadcast %lt3A_306 : i32 to vector<16xi32>
            %lt3A_308 = arith.cmpi ult, %bitcast3A_305, %lt3A_307 : vector<16xi32>
            %select_n3A_309 = arith.select %lt3A_308, %add3A_304, %add3A_5 : vector<16xi1>, vector<16xi32>
            %add3A_310 = arith.constant 32 : i32
            %add3A_311 = arith.addi %mul3A_239, %add3A_310 : i32
            %swap3A_312 = arith.index_cast %add3A_311 : i32 to index
            %swap3A_313 = tpu.vector_load %arg13[%swap3A_312] {strides = array<i32>} : memref<1536xi32, #tpu.memory_space<vmem>>, vector<16xi32>,
            %swap3A_314 = vector.shape_cast %swap3A_313 : vector<16xi32> to vector<16xi32>
            %swap3A_315 = vector.shape_cast %select_n3A_309 : vector<16xi32> to vector<16xi32>
            tpu.vector_store %arg13[%swap3A_312], %swap3A_315 {strides = array<i32>} : memref<1536xi32, #tpu.memory_space<vmem>>, vector<16xi32>,
            %add3A_316 = arith.constant 48 : i32
            %add3A_317 = arith.addi %mul3A_239, %add3A_316 : i32
            %get3A_318 = arith.index_cast %add3A_317 : i32 to index
            %get3A_319 = tpu.vector_load %arg5[%get3A_318] {strides = array<i32>} : memref<1536xi32, #tpu.memory_space<vmem>>, vector<16xi32>,
            %get3A_320 = vector.shape_cast %get3A_319 : vector<16xi32> to vector<16xi32>
            %shift_right_logical3A_321 = arith.constant 5 : i32
            %shift_right_logical3A_322 = vector.broadcast %shift_right_logical3A_321 : i32 to vector<16xi32>
            %shift_right_logical3A_323 = arith.shrui %get3A_320, %shift_right_logical3A_322 : vector<16xi32>
            %convert_element_type3A_324 = arith.sitofp %shift_right_logical3A_323 : vector<16xi32> to vector<16xf32>
            %mul3A_325 = vector.broadcast %div3A_1 : f32 to vector<16xf32>
            %mul3A_326 = arith.mulf %convert_element_type3A_324, %mul3A_325 : vector<16xf32>
            %convert_element_type3A_327 = arith.fptosi %mul3A_326 : vector<16xf32> to vector<16xi32>
            %mul3A_328 = arith.constant 96 : i32
            %mul3A_329 = vector.broadcast %mul3A_328 : i32 to vector<16xi32>
            %mul3A_330 = arith.muli %convert_element_type3A_327, %mul3A_329 : vector<16xi32>
            %add3A_331 = arith.addi %mul3A_330, %add3A_49 : vector<16xi32>
            %bitcast3A_332 = vector.bitcast %add3A_331 : vector<16xi32> to vector<16xi32>
            %lt3A_333 = arith.constant 1769472 : i32
            %lt3A_334 = vector.broadcast %lt3A_333 : i32 to vector<16xi32>
            %lt3A_335 = arith.cmpi ult, %bitcast3A_332, %lt3A_334 : vector<16xi32>
            %select_n3A_336 = arith.select %lt3A_335, %add3A_331, %add3A_5 : vector<16xi1>, vector<16xi32>
            %add3A_337 = arith.constant 48 : i32
            %add3A_338 = arith.addi %mul3A_239, %add3A_337 : i32
            %swap3A_339 = arith.index_cast %add3A_338 : i32 to index
            %swap3A_340 = tpu.vector_load %arg13[%swap3A_339] {strides = array<i32>} : memref<1536xi32, #tpu.memory_space<vmem>>, vector<16xi32>,
            %swap3A_341 = vector.shape_cast %swap3A_340 : vector<16xi32> to vector<16xi32>
            %swap3A_342 = vector.shape_cast %select_n3A_336 : vector<16xi32> to vector<16xi32>
            tpu.vector_store %arg13[%swap3A_339], %swap3A_342 {strides = array<i32>} : memref<1536xi32, #tpu.memory_space<vmem>>, vector<16xi32>,
            %add3A_343 = arith.constant 64 : i32
            %add3A_344 = arith.addi %mul3A_239, %add3A_343 : i32
            %get3A_345 = arith.index_cast %add3A_344 : i32 to index
            %get3A_346 = tpu.vector_load %arg5[%get3A_345] {strides = array<i32>} : memref<1536xi32, #tpu.memory_space<vmem>>, vector<16xi32>,
            %get3A_347 = vector.shape_cast %get3A_346 : vector<16xi32> to vector<16xi32>
            %shift_right_logical3A_348 = arith.constant 5 : i32
            %shift_right_logical3A_349 = vector.broadcast %shift_right_logical3A_348 : i32 to vector<16xi32>
            %shift_right_logical3A_350 = arith.shrui %get3A_347, %shift_right_logical3A_349 : vector<16xi32>
            %convert_element_type3A_351 = arith.sitofp %shift_right_logical3A_350 : vector<16xi32> to vector<16xf32>
            %mul3A_352 = vector.broadcast %div3A_1 : f32 to vector<16xf32>
            %mul3A_353 = arith.mulf %convert_element_type3A_351, %mul3A_352 : vector<16xf32>
            %convert_element_type3A_354 = arith.fptosi %mul3A_353 : vector<16xf32> to vector<16xi32>
            %mul3A_355 = arith.constant 96 : i32
            %mul3A_356 = vector.broadcast %mul3A_355 : i32 to vector<16xi32>
            %mul3A_357 = arith.muli %convert_element_type3A_354, %mul3A_356 : vector<16xi32>
            %add3A_358 = arith.addi %mul3A_357, %add3A_53 : vector<16xi32>
            %bitcast3A_359 = vector.bitcast %add3A_358 : vector<16xi32> to vector<16xi32>
            %lt3A_360 = arith.constant 1769472 : i32
            %lt3A_361 = vector.broadcast %lt3A_360 : i32 to vector<16xi32>
            %lt3A_362 = arith.cmpi ult, %bitcast3A_359, %lt3A_361 : vector<16xi32>
            %select_n3A_363 = arith.select %lt3A_362, %add3A_358, %add3A_5 : vector<16xi1>, vector<16xi32>
            %add3A_364 = arith.constant 64 : i32
            %add3A_365 = arith.addi %mul3A_239, %add3A_364 : i32
            %swap3A_366 = arith.index_cast %add3A_365 : i32 to index
            %swap3A_367 = tpu.vector_load %arg13[%swap3A_366] {strides = array<i32>} : memref<1536xi32, #tpu.memory_space<vmem>>, vector<16xi32>,
            %swap3A_368 = vector.shape_cast %swap3A_367 : vector<16xi32> to vector<16xi32>
            %swap3A_369 = vector.shape_cast %select_n3A_363 : vector<16xi32> to vector<16xi32>
            tpu.vector_store %arg13[%swap3A_366], %swap3A_369 {strides = array<i32>} : memref<1536xi32, #tpu.memory_space<vmem>>, vector<16xi32>,
            %add3A_370 = arith.constant 80 : i32
            %add3A_371 = arith.addi %mul3A_239, %add3A_370 : i32
            %get3A_372 = arith.index_cast %add3A_371 : i32 to index
            %get3A_373 = tpu.vector_load %arg5[%get3A_372] {strides = array<i32>} : memref<1536xi32, #tpu.memory_space<vmem>>, vector<16xi32>,
            %get3A_374 = vector.shape_cast %get3A_373 : vector<16xi32> to vector<16xi32>
            %shift_right_logical3A_375 = arith.constant 5 : i32
            %shift_right_logical3A_376 = vector.broadcast %shift_right_logical3A_375 : i32 to vector<16xi32>
            %shift_right_logical3A_377 = arith.shrui %get3A_374, %shift_right_logical3A_376 : vector<16xi32>
            %convert_element_type3A_378 = arith.sitofp %shift_right_logical3A_377 : vector<16xi32> to vector<16xf32>
            %mul3A_379 = vector.broadcast %div3A_1 : f32 to vector<16xf32>
            %mul3A_380 = arith.mulf %convert_element_type3A_378, %mul3A_379 : vector<16xf32>
            %convert_element_type3A_381 = arith.fptosi %mul3A_380 : vector<16xf32> to vector<16xi32>
            %mul3A_382 = arith.constant 96 : i32
            %mul3A_383 = vector.broadcast %mul3A_382 : i32 to vector<16xi32>
            %mul3A_384 = arith.muli %convert_element_type3A_381, %mul3A_383 : vector<16xi32>
            %add3A_385 = arith.addi %mul3A_384, %add3A_57 : vector<16xi32>
            %bitcast3A_386 = vector.bitcast %add3A_385 : vector<16xi32> to vector<16xi32>
            %lt3A_387 = arith.constant 1769472 : i32
            %lt3A_388 = vector.broadcast %lt3A_387 : i32 to vector<16xi32>
            %lt3A_389 = arith.cmpi ult, %bitcast3A_386, %lt3A_388 : vector<16xi32>
            %select_n3A_390 = arith.select %lt3A_389, %add3A_385, %add3A_5 : vector<16xi1>, vector<16xi32>
            %add3A_391 = arith.constant 80 : i32
            %add3A_392 = arith.addi %mul3A_239, %add3A_391 : i32
            %swap3A_393 = arith.index_cast %add3A_392 : i32 to index
            %swap3A_394 = tpu.vector_load %arg13[%swap3A_393] {strides = array<i32>} : memref<1536xi32, #tpu.memory_space<vmem>>, vector<16xi32>,
            %swap3A_395 = vector.shape_cast %swap3A_394 : vector<16xi32> to vector<16xi32>
            %swap3A_396 = vector.shape_cast %select_n3A_390 : vector<16xi32> to vector<16xi32>
            tpu.vector_store %arg13[%swap3A_393], %swap3A_396 {strides = array<i32>} : memref<1536xi32, #tpu.memory_space<vmem>>, vector<16xi32>,
          }
          %scan3A_132 = arith.constant 16 : i32
          %dma_start3A_133 = arith.constant 0 : i32
          %dma_start3A_134 = tpu.memref_slice %arg18[%dma_start3A_133] : memref<1769728xf32, #tpu.memory_space<vmem_shared>> -> memref<1769728xf32, #tpu.memory_space<vmem_shared>>
          tpu.enqueue_indirect_dma source(%arg9 : memref<1536xf32, #tpu.memory_space<vmem>>) target(%dma_start3A_134 : memref<1769728xf32, #tpu.memory_space<vmem_shared>>) offsets(%arg13 : memref<1536xi32, #tpu.memory_space<vmem>>) semaphore(%arg27 : memref<!tpu.dma_semaphore, #tpu.memory_space<semaphore_mem>>) {add = true}
          %mul3A_135 = arith.constant 4 : i32
          %mul3A_136 = arith.muli %scan3A_104, %mul3A_135 : i32
          %add3A_137 = arith.constant 1 : i32
          %add3A_138 = arith.addi %mul3A_136, %add3A_137 : i32
          %ge3A_139 = arith.constant 3 : i32
          %ge3A_140 = arith.cmpi sge, %add3A_138, %ge3A_139 : i32
          %convert_element_type3A_141 = arith.extui %ge3A_140 : i1 to i32
          %cond3A_142 = arith.constant 0 : i32
          %cond3A_143 = arith.cmpi ne, %convert_element_type3A_141, %cond3A_142 : i32
          scf.if %cond3A_143 {
            %dma_wait3A_237 = arith.constant 0 : i32
            %dma_wait3A_238 = tpu.memref_slice %arg18[%dma_wait3A_237] : memref<1769728xf32, #tpu.memory_space<vmem_shared>> -> memref<1769728xf32, #tpu.memory_space<vmem_shared>>
            tpu.wait_indirect_dma semaphore(%arg27 : memref<!tpu.dma_semaphore, #tpu.memory_space<semaphore_mem>>) src(%arg11 : memref<1536xf32, #tpu.memory_space<vmem>>) dst(%dma_wait3A_238 : memref<1769728xf32, #tpu.memory_space<vmem_shared>>)
          } else {
          }
          %add3A_144 = arith.constant 1 : i32
          %add3A_145 = arith.addi %add3A_138, %add3A_144 : i32
          %lt3A_146 = arith.constant 144 : i32
          %lt3A_147 = arith.cmpi slt, %add3A_145, %lt3A_146 : i32
          %convert_element_type3A_148 = arith.extui %lt3A_147 : i1 to i32
          %cond3A_149 = arith.constant 0 : i32
          %cond3A_150 = arith.cmpi ne, %convert_element_type3A_148, %cond3A_149 : i32
          scf.if %cond3A_150 {
            %add3A_237 = arith.constant 1 : i32
            %add3A_238 = arith.addi %add3A_138, %add3A_237 : i32
            %mul3A_239 = arith.constant 1536 : i32
            %mul3A_240 = arith.muli %add3A_238, %mul3A_239 : i32
            %add3A_241 = arith.addi %add3A_34, %mul3A_240 : i32
            %dma_start3A_242 = tpu.memref_slice %arg3[%add3A_241] : memref<14155776xi32, #tpu.memory_space<hbm>> -> memref<1536xi32, #tpu.memory_space<hbm>>
            %dma_start3A_243 = tpu.memref_slice %arg3[%add3A_241] : memref<14155776xi32, #tpu.memory_space<hbm>> -> memref<1536xi32, #tpu.memory_space<hbm>>
            tpu.enqueue_dma source(%dma_start3A_243 : memref<1536xi32, #tpu.memory_space<hbm>>) target(%arg7 : memref<1536xi32, #tpu.memory_space<vmem>>) target_semaphore(%arg21 : memref<!tpu.dma_semaphore, #tpu.memory_space<semaphore_mem>>)
            %mul3A_244 = arith.constant 1536 : i32
            %mul3A_245 = arith.muli %add3A_238, %mul3A_244 : i32
            %add3A_246 = arith.addi %add3A_34, %mul3A_245 : i32
            %dma_start3A_247 = tpu.memref_slice %arg2[%add3A_246] : memref<14155776xf32, #tpu.memory_space<hbm>> -> memref<1536xf32, #tpu.memory_space<hbm>>
            %dma_start3A_248 = tpu.memref_slice %arg2[%add3A_246] : memref<14155776xf32, #tpu.memory_space<hbm>> -> memref<1536xf32, #tpu.memory_space<hbm>>
            tpu.enqueue_dma source(%dma_start3A_248 : memref<1536xf32, #tpu.memory_space<hbm>>) target(%arg11 : memref<1536xf32, #tpu.memory_space<vmem>>) target_semaphore(%arg25 : memref<!tpu.dma_semaphore, #tpu.memory_space<semaphore_mem>>)
          } else {
          }
          %mul3A_151 = arith.constant 1536 : i32
          %mul3A_152 = arith.muli %add3A_138, %mul3A_151 : i32
          %add3A_153 = arith.addi %add3A_34, %mul3A_152 : i32
          %dma_wait3A_154 = tpu.memref_slice %arg3[%add3A_153] : memref<14155776xi32, #tpu.memory_space<hbm>> -> memref<1536xi32, #tpu.memory_space<hbm>>
          %dma_wait3A_155 = tpu.memref_slice %arg3[%add3A_153] : memref<14155776xi32, #tpu.memory_space<hbm>> -> memref<1536xi32, #tpu.memory_space<hbm>>
          tpu.wait_dma2 semaphore(%arg20 : memref<!tpu.dma_semaphore, #tpu.memory_space<semaphore_mem>>) src(%dma_wait3A_155 : memref<1536xi32, #tpu.memory_space<hbm>>) dst(%arg6 : memref<1536xi32, #tpu.memory_space<vmem>>)
          %mul3A_156 = arith.constant 1536 : i32
          %mul3A_157 = arith.muli %add3A_138, %mul3A_156 : i32
          %add3A_158 = arith.addi %add3A_34, %mul3A_157 : i32
          %dma_wait3A_159 = tpu.memref_slice %arg2[%add3A_158] : memref<14155776xf32, #tpu.memory_space<hbm>> -> memref<1536xf32, #tpu.memory_space<hbm>>
          %dma_wait3A_160 = tpu.memref_slice %arg2[%add3A_158] : memref<14155776xf32, #tpu.memory_space<hbm>> -> memref<1536xf32, #tpu.memory_space<hbm>>
          tpu.wait_dma2 semaphore(%arg24 : memref<!tpu.dma_semaphore, #tpu.memory_space<semaphore_mem>>) src(%dma_wait3A_160 : memref<1536xf32, #tpu.memory_space<hbm>>) dst(%arg10 : memref<1536xf32, #tpu.memory_space<vmem>>)
          %scan3A_161 = arith.constant 0 : i32
          %scan3A_162 = arith.constant 0 : i32
          %scan3A_163 = arith.constant 16 : i32
          %scan3A_164 = arith.addi %scan3A_162, %scan3A_163 : i32
          %scan3A_165 = arith.constant 1 : i32
          scf.for %scan3A_237 = %scan3A_162 to %scan3A_164 step %scan3A_165  : i32 {
            %mul3A_238 = arith.constant 96 : i32
            %mul3A_239 = arith.muli %scan3A_237, %mul3A_238 : i32
            %add3A_240 = arith.constant 0 : i32
            %add3A_241 = arith.addi %mul3A_239, %add3A_240 : i32
            %get3A = arith.index_cast %add3A_241 : i32 to index
            %get3A_242 = tpu.vector_load %arg6[%get3A] {strides = array<i32>} : memref<1536xi32, #tpu.memory_space<vmem>>, vector<16xi32>,
            %get3A_243 = vector.shape_cast %get3A_242 : vector<16xi32> to vector<16xi32>
            %shift_right_logical3A = arith.constant 5 : i32
            %shift_right_logical3A_244 = vector.broadcast %shift_right_logical3A : i32 to vector<16xi32>
            %shift_right_logical3A_245 = arith.shrui %get3A_243, %shift_right_logical3A_244 : vector<16xi32>
            %convert_element_type3A_246 = arith.sitofp %shift_right_logical3A_245 : vector<16xi32> to vector<16xf32>
            %mul3A_247 = vector.broadcast %div3A_1 : f32 to vector<16xf32>
            %mul3A_248 = arith.mulf %convert_element_type3A_246, %mul3A_247 : vector<16xf32>
            %convert_element_type3A_249 = arith.fptosi %mul3A_248 : vector<16xf32> to vector<16xi32>
            %mul3A_250 = arith.constant 96 : i32
            %mul3A_251 = vector.broadcast %mul3A_250 : i32 to vector<16xi32>
            %mul3A_252 = arith.muli %convert_element_type3A_249, %mul3A_251 : vector<16xi32>
            %add3A_253 = arith.addi %mul3A_252, %add3A_37 : vector<16xi32>
            %bitcast3A = vector.bitcast %add3A_253 : vector<16xi32> to vector<16xi32>
            %lt3A_254 = arith.constant 1769472 : i32
            %lt3A_255 = vector.broadcast %lt3A_254 : i32 to vector<16xi32>
            %lt3A_256 = arith.cmpi ult, %bitcast3A, %lt3A_255 : vector<16xi32>
            %select_n3A = arith.select %lt3A_256, %add3A_253, %add3A_5 : vector<16xi1>, vector<16xi32>
            %add3A_257 = arith.constant 0 : i32
            %add3A_258 = arith.addi %mul3A_239, %add3A_257 : i32
            %swap3A = arith.index_cast %add3A_258 : i32 to index
            %swap3A_259 = tpu.vector_load %arg14[%swap3A] {strides = array<i32>} : memref<1536xi32, #tpu.memory_space<vmem>>, vector<16xi32>,
            %swap3A_260 = vector.shape_cast %swap3A_259 : vector<16xi32> to vector<16xi32>
            %swap3A_261 = vector.shape_cast %select_n3A : vector<16xi32> to vector<16xi32>
            tpu.vector_store %arg14[%swap3A], %swap3A_261 {strides = array<i32>} : memref<1536xi32, #tpu.memory_space<vmem>>, vector<16xi32>,
            %add3A_262 = arith.constant 16 : i32
            %add3A_263 = arith.addi %mul3A_239, %add3A_262 : i32
            %get3A_264 = arith.index_cast %add3A_263 : i32 to index
            %get3A_265 = tpu.vector_load %arg6[%get3A_264] {strides = array<i32>} : memref<1536xi32, #tpu.memory_space<vmem>>, vector<16xi32>,
            %get3A_266 = vector.shape_cast %get3A_265 : vector<16xi32> to vector<16xi32>
            %shift_right_logical3A_267 = arith.constant 5 : i32
            %shift_right_logical3A_268 = vector.broadcast %shift_right_logical3A_267 : i32 to vector<16xi32>
            %shift_right_logical3A_269 = arith.shrui %get3A_266, %shift_right_logical3A_268 : vector<16xi32>
            %convert_element_type3A_270 = arith.sitofp %shift_right_logical3A_269 : vector<16xi32> to vector<16xf32>
            %mul3A_271 = vector.broadcast %div3A_1 : f32 to vector<16xf32>
            %mul3A_272 = arith.mulf %convert_element_type3A_270, %mul3A_271 : vector<16xf32>
            %convert_element_type3A_273 = arith.fptosi %mul3A_272 : vector<16xf32> to vector<16xi32>
            %mul3A_274 = arith.constant 96 : i32
            %mul3A_275 = vector.broadcast %mul3A_274 : i32 to vector<16xi32>
            %mul3A_276 = arith.muli %convert_element_type3A_273, %mul3A_275 : vector<16xi32>
            %add3A_277 = arith.addi %mul3A_276, %add3A_41 : vector<16xi32>
            %bitcast3A_278 = vector.bitcast %add3A_277 : vector<16xi32> to vector<16xi32>
            %lt3A_279 = arith.constant 1769472 : i32
            %lt3A_280 = vector.broadcast %lt3A_279 : i32 to vector<16xi32>
            %lt3A_281 = arith.cmpi ult, %bitcast3A_278, %lt3A_280 : vector<16xi32>
            %select_n3A_282 = arith.select %lt3A_281, %add3A_277, %add3A_5 : vector<16xi1>, vector<16xi32>
            %add3A_283 = arith.constant 16 : i32
            %add3A_284 = arith.addi %mul3A_239, %add3A_283 : i32
            %swap3A_285 = arith.index_cast %add3A_284 : i32 to index
            %swap3A_286 = tpu.vector_load %arg14[%swap3A_285] {strides = array<i32>} : memref<1536xi32, #tpu.memory_space<vmem>>, vector<16xi32>,
            %swap3A_287 = vector.shape_cast %swap3A_286 : vector<16xi32> to vector<16xi32>
            %swap3A_288 = vector.shape_cast %select_n3A_282 : vector<16xi32> to vector<16xi32>
            tpu.vector_store %arg14[%swap3A_285], %swap3A_288 {strides = array<i32>} : memref<1536xi32, #tpu.memory_space<vmem>>, vector<16xi32>,
            %add3A_289 = arith.constant 32 : i32
            %add3A_290 = arith.addi %mul3A_239, %add3A_289 : i32
            %get3A_291 = arith.index_cast %add3A_290 : i32 to index
            %get3A_292 = tpu.vector_load %arg6[%get3A_291] {strides = array<i32>} : memref<1536xi32, #tpu.memory_space<vmem>>, vector<16xi32>,
            %get3A_293 = vector.shape_cast %get3A_292 : vector<16xi32> to vector<16xi32>
            %shift_right_logical3A_294 = arith.constant 5 : i32
            %shift_right_logical3A_295 = vector.broadcast %shift_right_logical3A_294 : i32 to vector<16xi32>
            %shift_right_logical3A_296 = arith.shrui %get3A_293, %shift_right_logical3A_295 : vector<16xi32>
            %convert_element_type3A_297 = arith.sitofp %shift_right_logical3A_296 : vector<16xi32> to vector<16xf32>
            %mul3A_298 = vector.broadcast %div3A_1 : f32 to vector<16xf32>
            %mul3A_299 = arith.mulf %convert_element_type3A_297, %mul3A_298 : vector<16xf32>
            %convert_element_type3A_300 = arith.fptosi %mul3A_299 : vector<16xf32> to vector<16xi32>
            %mul3A_301 = arith.constant 96 : i32
            %mul3A_302 = vector.broadcast %mul3A_301 : i32 to vector<16xi32>
            %mul3A_303 = arith.muli %convert_element_type3A_300, %mul3A_302 : vector<16xi32>
            %add3A_304 = arith.addi %mul3A_303, %add3A_45 : vector<16xi32>
            %bitcast3A_305 = vector.bitcast %add3A_304 : vector<16xi32> to vector<16xi32>
            %lt3A_306 = arith.constant 1769472 : i32
            %lt3A_307 = vector.broadcast %lt3A_306 : i32 to vector<16xi32>
            %lt3A_308 = arith.cmpi ult, %bitcast3A_305, %lt3A_307 : vector<16xi32>
            %select_n3A_309 = arith.select %lt3A_308, %add3A_304, %add3A_5 : vector<16xi1>, vector<16xi32>
            %add3A_310 = arith.constant 32 : i32
            %add3A_311 = arith.addi %mul3A_239, %add3A_310 : i32
            %swap3A_312 = arith.index_cast %add3A_311 : i32 to index
            %swap3A_313 = tpu.vector_load %arg14[%swap3A_312] {strides = array<i32>} : memref<1536xi32, #tpu.memory_space<vmem>>, vector<16xi32>,
            %swap3A_314 = vector.shape_cast %swap3A_313 : vector<16xi32> to vector<16xi32>
            %swap3A_315 = vector.shape_cast %select_n3A_309 : vector<16xi32> to vector<16xi32>
            tpu.vector_store %arg14[%swap3A_312], %swap3A_315 {strides = array<i32>} : memref<1536xi32, #tpu.memory_space<vmem>>, vector<16xi32>,
            %add3A_316 = arith.constant 48 : i32
            %add3A_317 = arith.addi %mul3A_239, %add3A_316 : i32
            %get3A_318 = arith.index_cast %add3A_317 : i32 to index
            %get3A_319 = tpu.vector_load %arg6[%get3A_318] {strides = array<i32>} : memref<1536xi32, #tpu.memory_space<vmem>>, vector<16xi32>,
            %get3A_320 = vector.shape_cast %get3A_319 : vector<16xi32> to vector<16xi32>
            %shift_right_logical3A_321 = arith.constant 5 : i32
            %shift_right_logical3A_322 = vector.broadcast %shift_right_logical3A_321 : i32 to vector<16xi32>
            %shift_right_logical3A_323 = arith.shrui %get3A_320, %shift_right_logical3A_322 : vector<16xi32>
            %convert_element_type3A_324 = arith.sitofp %shift_right_logical3A_323 : vector<16xi32> to vector<16xf32>
            %mul3A_325 = vector.broadcast %div3A_1 : f32 to vector<16xf32>
            %mul3A_326 = arith.mulf %convert_element_type3A_324, %mul3A_325 : vector<16xf32>
            %convert_element_type3A_327 = arith.fptosi %mul3A_326 : vector<16xf32> to vector<16xi32>
            %mul3A_328 = arith.constant 96 : i32
            %mul3A_329 = vector.broadcast %mul3A_328 : i32 to vector<16xi32>
            %mul3A_330 = arith.muli %convert_element_type3A_327, %mul3A_329 : vector<16xi32>
            %add3A_331 = arith.addi %mul3A_330, %add3A_49 : vector<16xi32>
            %bitcast3A_332 = vector.bitcast %add3A_331 : vector<16xi32> to vector<16xi32>
            %lt3A_333 = arith.constant 1769472 : i32
            %lt3A_334 = vector.broadcast %lt3A_333 : i32 to vector<16xi32>
            %lt3A_335 = arith.cmpi ult, %bitcast3A_332, %lt3A_334 : vector<16xi32>
            %select_n3A_336 = arith.select %lt3A_335, %add3A_331, %add3A_5 : vector<16xi1>, vector<16xi32>
            %add3A_337 = arith.constant 48 : i32
            %add3A_338 = arith.addi %mul3A_239, %add3A_337 : i32
            %swap3A_339 = arith.index_cast %add3A_338 : i32 to index
            %swap3A_340 = tpu.vector_load %arg14[%swap3A_339] {strides = array<i32>} : memref<1536xi32, #tpu.memory_space<vmem>>, vector<16xi32>,
            %swap3A_341 = vector.shape_cast %swap3A_340 : vector<16xi32> to vector<16xi32>
            %swap3A_342 = vector.shape_cast %select_n3A_336 : vector<16xi32> to vector<16xi32>
            tpu.vector_store %arg14[%swap3A_339], %swap3A_342 {strides = array<i32>} : memref<1536xi32, #tpu.memory_space<vmem>>, vector<16xi32>,
            %add3A_343 = arith.constant 64 : i32
            %add3A_344 = arith.addi %mul3A_239, %add3A_343 : i32
            %get3A_345 = arith.index_cast %add3A_344 : i32 to index
            %get3A_346 = tpu.vector_load %arg6[%get3A_345] {strides = array<i32>} : memref<1536xi32, #tpu.memory_space<vmem>>, vector<16xi32>,
            %get3A_347 = vector.shape_cast %get3A_346 : vector<16xi32> to vector<16xi32>
            %shift_right_logical3A_348 = arith.constant 5 : i32
            %shift_right_logical3A_349 = vector.broadcast %shift_right_logical3A_348 : i32 to vector<16xi32>
            %shift_right_logical3A_350 = arith.shrui %get3A_347, %shift_right_logical3A_349 : vector<16xi32>
            %convert_element_type3A_351 = arith.sitofp %shift_right_logical3A_350 : vector<16xi32> to vector<16xf32>
            %mul3A_352 = vector.broadcast %div3A_1 : f32 to vector<16xf32>
            %mul3A_353 = arith.mulf %convert_element_type3A_351, %mul3A_352 : vector<16xf32>
            %convert_element_type3A_354 = arith.fptosi %mul3A_353 : vector<16xf32> to vector<16xi32>
            %mul3A_355 = arith.constant 96 : i32
            %mul3A_356 = vector.broadcast %mul3A_355 : i32 to vector<16xi32>
            %mul3A_357 = arith.muli %convert_element_type3A_354, %mul3A_356 : vector<16xi32>
            %add3A_358 = arith.addi %mul3A_357, %add3A_53 : vector<16xi32>
            %bitcast3A_359 = vector.bitcast %add3A_358 : vector<16xi32> to vector<16xi32>
            %lt3A_360 = arith.constant 1769472 : i32
            %lt3A_361 = vector.broadcast %lt3A_360 : i32 to vector<16xi32>
            %lt3A_362 = arith.cmpi ult, %bitcast3A_359, %lt3A_361 : vector<16xi32>
            %select_n3A_363 = arith.select %lt3A_362, %add3A_358, %add3A_5 : vector<16xi1>, vector<16xi32>
            %add3A_364 = arith.constant 64 : i32
            %add3A_365 = arith.addi %mul3A_239, %add3A_364 : i32
            %swap3A_366 = arith.index_cast %add3A_365 : i32 to index
            %swap3A_367 = tpu.vector_load %arg14[%swap3A_366] {strides = array<i32>} : memref<1536xi32, #tpu.memory_space<vmem>>, vector<16xi32>,
            %swap3A_368 = vector.shape_cast %swap3A_367 : vector<16xi32> to vector<16xi32>
            %swap3A_369 = vector.shape_cast %select_n3A_363 : vector<16xi32> to vector<16xi32>
            tpu.vector_store %arg14[%swap3A_366], %swap3A_369 {strides = array<i32>} : memref<1536xi32, #tpu.memory_space<vmem>>, vector<16xi32>,
            %add3A_370 = arith.constant 80 : i32
            %add3A_371 = arith.addi %mul3A_239, %add3A_370 : i32
            %get3A_372 = arith.index_cast %add3A_371 : i32 to index
            %get3A_373 = tpu.vector_load %arg6[%get3A_372] {strides = array<i32>} : memref<1536xi32, #tpu.memory_space<vmem>>, vector<16xi32>,
            %get3A_374 = vector.shape_cast %get3A_373 : vector<16xi32> to vector<16xi32>
            %shift_right_logical3A_375 = arith.constant 5 : i32
            %shift_right_logical3A_376 = vector.broadcast %shift_right_logical3A_375 : i32 to vector<16xi32>
            %shift_right_logical3A_377 = arith.shrui %get3A_374, %shift_right_logical3A_376 : vector<16xi32>
            %convert_element_type3A_378 = arith.sitofp %shift_right_logical3A_377 : vector<16xi32> to vector<16xf32>
            %mul3A_379 = vector.broadcast %div3A_1 : f32 to vector<16xf32>
            %mul3A_380 = arith.mulf %convert_element_type3A_378, %mul3A_379 : vector<16xf32>
            %convert_element_type3A_381 = arith.fptosi %mul3A_380 : vector<16xf32> to vector<16xi32>
            %mul3A_382 = arith.constant 96 : i32
            %mul3A_383 = vector.broadcast %mul3A_382 : i32 to vector<16xi32>
            %mul3A_384 = arith.muli %convert_element_type3A_381, %mul3A_383 : vector<16xi32>
            %add3A_385 = arith.addi %mul3A_384, %add3A_57 : vector<16xi32>
            %bitcast3A_386 = vector.bitcast %add3A_385 : vector<16xi32> to vector<16xi32>
            %lt3A_387 = arith.constant 1769472 : i32
            %lt3A_388 = vector.broadcast %lt3A_387 : i32 to vector<16xi32>
            %lt3A_389 = arith.cmpi ult, %bitcast3A_386, %lt3A_388 : vector<16xi32>
            %select_n3A_390 = arith.select %lt3A_389, %add3A_385, %add3A_5 : vector<16xi1>, vector<16xi32>
            %add3A_391 = arith.constant 80 : i32
            %add3A_392 = arith.addi %mul3A_239, %add3A_391 : i32
            %swap3A_393 = arith.index_cast %add3A_392 : i32 to index
            %swap3A_394 = tpu.vector_load %arg14[%swap3A_393] {strides = array<i32>} : memref<1536xi32, #tpu.memory_space<vmem>>, vector<16xi32>,
            %swap3A_395 = vector.shape_cast %swap3A_394 : vector<16xi32> to vector<16xi32>
            %swap3A_396 = vector.shape_cast %select_n3A_390 : vector<16xi32> to vector<16xi32>
            tpu.vector_store %arg14[%swap3A_393], %swap3A_396 {strides = array<i32>} : memref<1536xi32, #tpu.memory_space<vmem>>, vector<16xi32>,
          }
          %scan3A_166 = arith.constant 16 : i32
          %dma_start3A_167 = arith.constant 0 : i32
          %dma_start3A_168 = tpu.memref_slice %arg18[%dma_start3A_167] : memref<1769728xf32, #tpu.memory_space<vmem_shared>> -> memref<1769728xf32, #tpu.memory_space<vmem_shared>>
          tpu.enqueue_indirect_dma source(%arg10 : memref<1536xf32, #tpu.memory_space<vmem>>) target(%dma_start3A_168 : memref<1769728xf32, #tpu.memory_space<vmem_shared>>) offsets(%arg14 : memref<1536xi32, #tpu.memory_space<vmem>>) semaphore(%arg27 : memref<!tpu.dma_semaphore, #tpu.memory_space<semaphore_mem>>) {add = true}
          %mul3A_169 = arith.constant 4 : i32
          %mul3A_170 = arith.muli %scan3A_104, %mul3A_169 : i32
          %add3A_171 = arith.constant 2 : i32
          %add3A_172 = arith.addi %mul3A_170, %add3A_171 : i32
          %ge3A_173 = arith.constant 3 : i32
          %ge3A_174 = arith.cmpi sge, %add3A_172, %ge3A_173 : i32
          %convert_element_type3A_175 = arith.extui %ge3A_174 : i1 to i32
          %cond3A_176 = arith.constant 0 : i32
          %cond3A_177 = arith.cmpi ne, %convert_element_type3A_175, %cond3A_176 : i32
          scf.if %cond3A_177 {
            %dma_wait3A_237 = arith.constant 0 : i32
            %dma_wait3A_238 = tpu.memref_slice %arg18[%dma_wait3A_237] : memref<1769728xf32, #tpu.memory_space<vmem_shared>> -> memref<1769728xf32, #tpu.memory_space<vmem_shared>>
            tpu.wait_indirect_dma semaphore(%arg27 : memref<!tpu.dma_semaphore, #tpu.memory_space<semaphore_mem>>) src(%arg12 : memref<1536xf32, #tpu.memory_space<vmem>>) dst(%dma_wait3A_238 : memref<1769728xf32, #tpu.memory_space<vmem_shared>>)
          } else {
          }
          %add3A_178 = arith.constant 1 : i32
          %add3A_179 = arith.addi %add3A_172, %add3A_178 : i32
          %lt3A_180 = arith.constant 144 : i32
          %lt3A_181 = arith.cmpi slt, %add3A_179, %lt3A_180 : i32
          %convert_element_type3A_182 = arith.extui %lt3A_181 : i1 to i32
          %cond3A_183 = arith.constant 0 : i32
          %cond3A_184 = arith.cmpi ne, %convert_element_type3A_182, %cond3A_183 : i32
          scf.if %cond3A_184 {
            %add3A_237 = arith.constant 1 : i32
            %add3A_238 = arith.addi %add3A_172, %add3A_237 : i32
            %mul3A_239 = arith.constant 1536 : i32
            %mul3A_240 = arith.muli %add3A_238, %mul3A_239 : i32
            %add3A_241 = arith.addi %add3A_34, %mul3A_240 : i32
            %dma_start3A_242 = tpu.memref_slice %arg3[%add3A_241] : memref<14155776xi32, #tpu.memory_space<hbm>> -> memref<1536xi32, #tpu.memory_space<hbm>>
            %dma_start3A_243 = tpu.memref_slice %arg3[%add3A_241] : memref<14155776xi32, #tpu.memory_space<hbm>> -> memref<1536xi32, #tpu.memory_space<hbm>>
            tpu.enqueue_dma source(%dma_start3A_243 : memref<1536xi32, #tpu.memory_space<hbm>>) target(%arg8 : memref<1536xi32, #tpu.memory_space<vmem>>) target_semaphore(%arg22 : memref<!tpu.dma_semaphore, #tpu.memory_space<semaphore_mem>>)
            %mul3A_244 = arith.constant 1536 : i32
            %mul3A_245 = arith.muli %add3A_238, %mul3A_244 : i32
            %add3A_246 = arith.addi %add3A_34, %mul3A_245 : i32
            %dma_start3A_247 = tpu.memref_slice %arg2[%add3A_246] : memref<14155776xf32, #tpu.memory_space<hbm>> -> memref<1536xf32, #tpu.memory_space<hbm>>
            %dma_start3A_248 = tpu.memref_slice %arg2[%add3A_246] : memref<14155776xf32, #tpu.memory_space<hbm>> -> memref<1536xf32, #tpu.memory_space<hbm>>
            tpu.enqueue_dma source(%dma_start3A_248 : memref<1536xf32, #tpu.memory_space<hbm>>) target(%arg12 : memref<1536xf32, #tpu.memory_space<vmem>>) target_semaphore(%arg26 : memref<!tpu.dma_semaphore, #tpu.memory_space<semaphore_mem>>)
          } else {
          }
          %mul3A_185 = arith.constant 1536 : i32
          %mul3A_186 = arith.muli %add3A_172, %mul3A_185 : i32
          %add3A_187 = arith.addi %add3A_34, %mul3A_186 : i32
          %dma_wait3A_188 = tpu.memref_slice %arg3[%add3A_187] : memref<14155776xi32, #tpu.memory_space<hbm>> -> memref<1536xi32, #tpu.memory_space<hbm>>
          %dma_wait3A_189 = tpu.memref_slice %arg3[%add3A_187] : memref<14155776xi32, #tpu.memory_space<hbm>> -> memref<1536xi32, #tpu.memory_space<hbm>>
          tpu.wait_dma2 semaphore(%arg21 : memref<!tpu.dma_semaphore, #tpu.memory_space<semaphore_mem>>) src(%dma_wait3A_189 : memref<1536xi32, #tpu.memory_space<hbm>>) dst(%arg7 : memref<1536xi32, #tpu.memory_space<vmem>>)
          %mul3A_190 = arith.constant 1536 : i32
          %mul3A_191 = arith.muli %add3A_172, %mul3A_190 : i32
          %add3A_192 = arith.addi %add3A_34, %mul3A_191 : i32
          %dma_wait3A_193 = tpu.memref_slice %arg2[%add3A_192] : memref<14155776xf32, #tpu.memory_space<hbm>> -> memref<1536xf32, #tpu.memory_space<hbm>>
          %dma_wait3A_194 = tpu.memref_slice %arg2[%add3A_192] : memref<14155776xf32, #tpu.memory_space<hbm>> -> memref<1536xf32, #tpu.memory_space<hbm>>
          tpu.wait_dma2 semaphore(%arg25 : memref<!tpu.dma_semaphore, #tpu.memory_space<semaphore_mem>>) src(%dma_wait3A_194 : memref<1536xf32, #tpu.memory_space<hbm>>) dst(%arg11 : memref<1536xf32, #tpu.memory_space<vmem>>)
          %scan3A_195 = arith.constant 0 : i32
          %scan3A_196 = arith.constant 0 : i32
          %scan3A_197 = arith.constant 16 : i32
          %scan3A_198 = arith.addi %scan3A_196, %scan3A_197 : i32
          %scan3A_199 = arith.constant 1 : i32
          scf.for %scan3A_237 = %scan3A_196 to %scan3A_198 step %scan3A_199  : i32 {
            %mul3A_238 = arith.constant 96 : i32
            %mul3A_239 = arith.muli %scan3A_237, %mul3A_238 : i32
            %add3A_240 = arith.constant 0 : i32
            %add3A_241 = arith.addi %mul3A_239, %add3A_240 : i32
            %get3A = arith.index_cast %add3A_241 : i32 to index
            %get3A_242 = tpu.vector_load %arg7[%get3A] {strides = array<i32>} : memref<1536xi32, #tpu.memory_space<vmem>>, vector<16xi32>,
            %get3A_243 = vector.shape_cast %get3A_242 : vector<16xi32> to vector<16xi32>
            %shift_right_logical3A = arith.constant 5 : i32
            %shift_right_logical3A_244 = vector.broadcast %shift_right_logical3A : i32 to vector<16xi32>
            %shift_right_logical3A_245 = arith.shrui %get3A_243, %shift_right_logical3A_244 : vector<16xi32>
            %convert_element_type3A_246 = arith.sitofp %shift_right_logical3A_245 : vector<16xi32> to vector<16xf32>
            %mul3A_247 = vector.broadcast %div3A_1 : f32 to vector<16xf32>
            %mul3A_248 = arith.mulf %convert_element_type3A_246, %mul3A_247 : vector<16xf32>
            %convert_element_type3A_249 = arith.fptosi %mul3A_248 : vector<16xf32> to vector<16xi32>
            %mul3A_250 = arith.constant 96 : i32
            %mul3A_251 = vector.broadcast %mul3A_250 : i32 to vector<16xi32>
            %mul3A_252 = arith.muli %convert_element_type3A_249, %mul3A_251 : vector<16xi32>
            %add3A_253 = arith.addi %mul3A_252, %add3A_37 : vector<16xi32>
            %bitcast3A = vector.bitcast %add3A_253 : vector<16xi32> to vector<16xi32>
            %lt3A_254 = arith.constant 1769472 : i32
            %lt3A_255 = vector.broadcast %lt3A_254 : i32 to vector<16xi32>
            %lt3A_256 = arith.cmpi ult, %bitcast3A, %lt3A_255 : vector<16xi32>
            %select_n3A = arith.select %lt3A_256, %add3A_253, %add3A_5 : vector<16xi1>, vector<16xi32>
            %add3A_257 = arith.constant 0 : i32
            %add3A_258 = arith.addi %mul3A_239, %add3A_257 : i32
            %swap3A = arith.index_cast %add3A_258 : i32 to index
            %swap3A_259 = tpu.vector_load %arg15[%swap3A] {strides = array<i32>} : memref<1536xi32, #tpu.memory_space<vmem>>, vector<16xi32>,
            %swap3A_260 = vector.shape_cast %swap3A_259 : vector<16xi32> to vector<16xi32>
            %swap3A_261 = vector.shape_cast %select_n3A : vector<16xi32> to vector<16xi32>
            tpu.vector_store %arg15[%swap3A], %swap3A_261 {strides = array<i32>} : memref<1536xi32, #tpu.memory_space<vmem>>, vector<16xi32>,
            %add3A_262 = arith.constant 16 : i32
            %add3A_263 = arith.addi %mul3A_239, %add3A_262 : i32
            %get3A_264 = arith.index_cast %add3A_263 : i32 to index
            %get3A_265 = tpu.vector_load %arg7[%get3A_264] {strides = array<i32>} : memref<1536xi32, #tpu.memory_space<vmem>>, vector<16xi32>,
            %get3A_266 = vector.shape_cast %get3A_265 : vector<16xi32> to vector<16xi32>
            %shift_right_logical3A_267 = arith.constant 5 : i32
            %shift_right_logical3A_268 = vector.broadcast %shift_right_logical3A_267 : i32 to vector<16xi32>
            %shift_right_logical3A_269 = arith.shrui %get3A_266, %shift_right_logical3A_268 : vector<16xi32>
            %convert_element_type3A_270 = arith.sitofp %shift_right_logical3A_269 : vector<16xi32> to vector<16xf32>
            %mul3A_271 = vector.broadcast %div3A_1 : f32 to vector<16xf32>
            %mul3A_272 = arith.mulf %convert_element_type3A_270, %mul3A_271 : vector<16xf32>
            %convert_element_type3A_273 = arith.fptosi %mul3A_272 : vector<16xf32> to vector<16xi32>
            %mul3A_274 = arith.constant 96 : i32
            %mul3A_275 = vector.broadcast %mul3A_274 : i32 to vector<16xi32>
            %mul3A_276 = arith.muli %convert_element_type3A_273, %mul3A_275 : vector<16xi32>
            %add3A_277 = arith.addi %mul3A_276, %add3A_41 : vector<16xi32>
            %bitcast3A_278 = vector.bitcast %add3A_277 : vector<16xi32> to vector<16xi32>
            %lt3A_279 = arith.constant 1769472 : i32
            %lt3A_280 = vector.broadcast %lt3A_279 : i32 to vector<16xi32>
            %lt3A_281 = arith.cmpi ult, %bitcast3A_278, %lt3A_280 : vector<16xi32>
            %select_n3A_282 = arith.select %lt3A_281, %add3A_277, %add3A_5 : vector<16xi1>, vector<16xi32>
            %add3A_283 = arith.constant 16 : i32
            %add3A_284 = arith.addi %mul3A_239, %add3A_283 : i32
            %swap3A_285 = arith.index_cast %add3A_284 : i32 to index
            %swap3A_286 = tpu.vector_load %arg15[%swap3A_285] {strides = array<i32>} : memref<1536xi32, #tpu.memory_space<vmem>>, vector<16xi32>,
            %swap3A_287 = vector.shape_cast %swap3A_286 : vector<16xi32> to vector<16xi32>
            %swap3A_288 = vector.shape_cast %select_n3A_282 : vector<16xi32> to vector<16xi32>
            tpu.vector_store %arg15[%swap3A_285], %swap3A_288 {strides = array<i32>} : memref<1536xi32, #tpu.memory_space<vmem>>, vector<16xi32>,
            %add3A_289 = arith.constant 32 : i32
            %add3A_290 = arith.addi %mul3A_239, %add3A_289 : i32
            %get3A_291 = arith.index_cast %add3A_290 : i32 to index
            %get3A_292 = tpu.vector_load %arg7[%get3A_291] {strides = array<i32>} : memref<1536xi32, #tpu.memory_space<vmem>>, vector<16xi32>,
            %get3A_293 = vector.shape_cast %get3A_292 : vector<16xi32> to vector<16xi32>
            %shift_right_logical3A_294 = arith.constant 5 : i32
            %shift_right_logical3A_295 = vector.broadcast %shift_right_logical3A_294 : i32 to vector<16xi32>
            %shift_right_logical3A_296 = arith.shrui %get3A_293, %shift_right_logical3A_295 : vector<16xi32>
            %convert_element_type3A_297 = arith.sitofp %shift_right_logical3A_296 : vector<16xi32> to vector<16xf32>
            %mul3A_298 = vector.broadcast %div3A_1 : f32 to vector<16xf32>
            %mul3A_299 = arith.mulf %convert_element_type3A_297, %mul3A_298 : vector<16xf32>
            %convert_element_type3A_300 = arith.fptosi %mul3A_299 : vector<16xf32> to vector<16xi32>
            %mul3A_301 = arith.constant 96 : i32
            %mul3A_302 = vector.broadcast %mul3A_301 : i32 to vector<16xi32>
            %mul3A_303 = arith.muli %convert_element_type3A_300, %mul3A_302 : vector<16xi32>
            %add3A_304 = arith.addi %mul3A_303, %add3A_45 : vector<16xi32>
            %bitcast3A_305 = vector.bitcast %add3A_304 : vector<16xi32> to vector<16xi32>
            %lt3A_306 = arith.constant 1769472 : i32
            %lt3A_307 = vector.broadcast %lt3A_306 : i32 to vector<16xi32>
            %lt3A_308 = arith.cmpi ult, %bitcast3A_305, %lt3A_307 : vector<16xi32>
            %select_n3A_309 = arith.select %lt3A_308, %add3A_304, %add3A_5 : vector<16xi1>, vector<16xi32>
            %add3A_310 = arith.constant 32 : i32
            %add3A_311 = arith.addi %mul3A_239, %add3A_310 : i32
            %swap3A_312 = arith.index_cast %add3A_311 : i32 to index
            %swap3A_313 = tpu.vector_load %arg15[%swap3A_312] {strides = array<i32>} : memref<1536xi32, #tpu.memory_space<vmem>>, vector<16xi32>,
            %swap3A_314 = vector.shape_cast %swap3A_313 : vector<16xi32> to vector<16xi32>
            %swap3A_315 = vector.shape_cast %select_n3A_309 : vector<16xi32> to vector<16xi32>
            tpu.vector_store %arg15[%swap3A_312], %swap3A_315 {strides = array<i32>} : memref<1536xi32, #tpu.memory_space<vmem>>, vector<16xi32>,
            %add3A_316 = arith.constant 48 : i32
            %add3A_317 = arith.addi %mul3A_239, %add3A_316 : i32
            %get3A_318 = arith.index_cast %add3A_317 : i32 to index
            %get3A_319 = tpu.vector_load %arg7[%get3A_318] {strides = array<i32>} : memref<1536xi32, #tpu.memory_space<vmem>>, vector<16xi32>,
            %get3A_320 = vector.shape_cast %get3A_319 : vector<16xi32> to vector<16xi32>
            %shift_right_logical3A_321 = arith.constant 5 : i32
            %shift_right_logical3A_322 = vector.broadcast %shift_right_logical3A_321 : i32 to vector<16xi32>
            %shift_right_logical3A_323 = arith.shrui %get3A_320, %shift_right_logical3A_322 : vector<16xi32>
            %convert_element_type3A_324 = arith.sitofp %shift_right_logical3A_323 : vector<16xi32> to vector<16xf32>
            %mul3A_325 = vector.broadcast %div3A_1 : f32 to vector<16xf32>
            %mul3A_326 = arith.mulf %convert_element_type3A_324, %mul3A_325 : vector<16xf32>
            %convert_element_type3A_327 = arith.fptosi %mul3A_326 : vector<16xf32> to vector<16xi32>
            %mul3A_328 = arith.constant 96 : i32
            %mul3A_329 = vector.broadcast %mul3A_328 : i32 to vector<16xi32>
            %mul3A_330 = arith.muli %convert_element_type3A_327, %mul3A_329 : vector<16xi32>
            %add3A_331 = arith.addi %mul3A_330, %add3A_49 : vector<16xi32>
            %bitcast3A_332 = vector.bitcast %add3A_331 : vector<16xi32> to vector<16xi32>
            %lt3A_333 = arith.constant 1769472 : i32
            %lt3A_334 = vector.broadcast %lt3A_333 : i32 to vector<16xi32>
            %lt3A_335 = arith.cmpi ult, %bitcast3A_332, %lt3A_334 : vector<16xi32>
            %select_n3A_336 = arith.select %lt3A_335, %add3A_331, %add3A_5 : vector<16xi1>, vector<16xi32>
            %add3A_337 = arith.constant 48 : i32
            %add3A_338 = arith.addi %mul3A_239, %add3A_337 : i32
            %swap3A_339 = arith.index_cast %add3A_338 : i32 to index
            %swap3A_340 = tpu.vector_load %arg15[%swap3A_339] {strides = array<i32>} : memref<1536xi32, #tpu.memory_space<vmem>>, vector<16xi32>,
            %swap3A_341 = vector.shape_cast %swap3A_340 : vector<16xi32> to vector<16xi32>
            %swap3A_342 = vector.shape_cast %select_n3A_336 : vector<16xi32> to vector<16xi32>
            tpu.vector_store %arg15[%swap3A_339], %swap3A_342 {strides = array<i32>} : memref<1536xi32, #tpu.memory_space<vmem>>, vector<16xi32>,
            %add3A_343 = arith.constant 64 : i32
            %add3A_344 = arith.addi %mul3A_239, %add3A_343 : i32
            %get3A_345 = arith.index_cast %add3A_344 : i32 to index
            %get3A_346 = tpu.vector_load %arg7[%get3A_345] {strides = array<i32>} : memref<1536xi32, #tpu.memory_space<vmem>>, vector<16xi32>,
            %get3A_347 = vector.shape_cast %get3A_346 : vector<16xi32> to vector<16xi32>
            %shift_right_logical3A_348 = arith.constant 5 : i32
            %shift_right_logical3A_349 = vector.broadcast %shift_right_logical3A_348 : i32 to vector<16xi32>
            %shift_right_logical3A_350 = arith.shrui %get3A_347, %shift_right_logical3A_349 : vector<16xi32>
            %convert_element_type3A_351 = arith.sitofp %shift_right_logical3A_350 : vector<16xi32> to vector<16xf32>
            %mul3A_352 = vector.broadcast %div3A_1 : f32 to vector<16xf32>
            %mul3A_353 = arith.mulf %convert_element_type3A_351, %mul3A_352 : vector<16xf32>
            %convert_element_type3A_354 = arith.fptosi %mul3A_353 : vector<16xf32> to vector<16xi32>
            %mul3A_355 = arith.constant 96 : i32
            %mul3A_356 = vector.broadcast %mul3A_355 : i32 to vector<16xi32>
            %mul3A_357 = arith.muli %convert_element_type3A_354, %mul3A_356 : vector<16xi32>
            %add3A_358 = arith.addi %mul3A_357, %add3A_53 : vector<16xi32>
            %bitcast3A_359 = vector.bitcast %add3A_358 : vector<16xi32> to vector<16xi32>
            %lt3A_360 = arith.constant 1769472 : i32
            %lt3A_361 = vector.broadcast %lt3A_360 : i32 to vector<16xi32>
            %lt3A_362 = arith.cmpi ult, %bitcast3A_359, %lt3A_361 : vector<16xi32>
            %select_n3A_363 = arith.select %lt3A_362, %add3A_358, %add3A_5 : vector<16xi1>, vector<16xi32>
            %add3A_364 = arith.constant 64 : i32
            %add3A_365 = arith.addi %mul3A_239, %add3A_364 : i32
            %swap3A_366 = arith.index_cast %add3A_365 : i32 to index
            %swap3A_367 = tpu.vector_load %arg15[%swap3A_366] {strides = array<i32>} : memref<1536xi32, #tpu.memory_space<vmem>>, vector<16xi32>,
            %swap3A_368 = vector.shape_cast %swap3A_367 : vector<16xi32> to vector<16xi32>
            %swap3A_369 = vector.shape_cast %select_n3A_363 : vector<16xi32> to vector<16xi32>
            tpu.vector_store %arg15[%swap3A_366], %swap3A_369 {strides = array<i32>} : memref<1536xi32, #tpu.memory_space<vmem>>, vector<16xi32>,
            %add3A_370 = arith.constant 80 : i32
            %add3A_371 = arith.addi %mul3A_239, %add3A_370 : i32
            %get3A_372 = arith.index_cast %add3A_371 : i32 to index
            %get3A_373 = tpu.vector_load %arg7[%get3A_372] {strides = array<i32>} : memref<1536xi32, #tpu.memory_space<vmem>>, vector<16xi32>,
            %get3A_374 = vector.shape_cast %get3A_373 : vector<16xi32> to vector<16xi32>
            %shift_right_logical3A_375 = arith.constant 5 : i32
            %shift_right_logical3A_376 = vector.broadcast %shift_right_logical3A_375 : i32 to vector<16xi32>
            %shift_right_logical3A_377 = arith.shrui %get3A_374, %shift_right_logical3A_376 : vector<16xi32>
            %convert_element_type3A_378 = arith.sitofp %shift_right_logical3A_377 : vector<16xi32> to vector<16xf32>
            %mul3A_379 = vector.broadcast %div3A_1 : f32 to vector<16xf32>
            %mul3A_380 = arith.mulf %convert_element_type3A_378, %mul3A_379 : vector<16xf32>
            %convert_element_type3A_381 = arith.fptosi %mul3A_380 : vector<16xf32> to vector<16xi32>
            %mul3A_382 = arith.constant 96 : i32
            %mul3A_383 = vector.broadcast %mul3A_382 : i32 to vector<16xi32>
            %mul3A_384 = arith.muli %convert_element_type3A_381, %mul3A_383 : vector<16xi32>
            %add3A_385 = arith.addi %mul3A_384, %add3A_57 : vector<16xi32>
            %bitcast3A_386 = vector.bitcast %add3A_385 : vector<16xi32> to vector<16xi32>
            %lt3A_387 = arith.constant 1769472 : i32
            %lt3A_388 = vector.broadcast %lt3A_387 : i32 to vector<16xi32>
            %lt3A_389 = arith.cmpi ult, %bitcast3A_386, %lt3A_388 : vector<16xi32>
            %select_n3A_390 = arith.select %lt3A_389, %add3A_385, %add3A_5 : vector<16xi1>, vector<16xi32>
            %add3A_391 = arith.constant 80 : i32
            %add3A_392 = arith.addi %mul3A_239, %add3A_391 : i32
            %swap3A_393 = arith.index_cast %add3A_392 : i32 to index
            %swap3A_394 = tpu.vector_load %arg15[%swap3A_393] {strides = array<i32>} : memref<1536xi32, #tpu.memory_space<vmem>>, vector<16xi32>,
            %swap3A_395 = vector.shape_cast %swap3A_394 : vector<16xi32> to vector<16xi32>
            %swap3A_396 = vector.shape_cast %select_n3A_390 : vector<16xi32> to vector<16xi32>
            tpu.vector_store %arg15[%swap3A_393], %swap3A_396 {strides = array<i32>} : memref<1536xi32, #tpu.memory_space<vmem>>, vector<16xi32>,
          }
          %scan3A_200 = arith.constant 16 : i32
          %dma_start3A_201 = arith.constant 0 : i32
          %dma_start3A_202 = tpu.memref_slice %arg18[%dma_start3A_201] : memref<1769728xf32, #tpu.memory_space<vmem_shared>> -> memref<1769728xf32, #tpu.memory_space<vmem_shared>>
          tpu.enqueue_indirect_dma source(%arg11 : memref<1536xf32, #tpu.memory_space<vmem>>) target(%dma_start3A_202 : memref<1769728xf32, #tpu.memory_space<vmem_shared>>) offsets(%arg15 : memref<1536xi32, #tpu.memory_space<vmem>>) semaphore(%arg27 : memref<!tpu.dma_semaphore, #tpu.memory_space<semaphore_mem>>) {add = true}
          %mul3A_203 = arith.constant 4 : i32
          %mul3A_204 = arith.muli %scan3A_104, %mul3A_203 : i32
          %add3A_205 = arith.constant 3 : i32
          %add3A_206 = arith.addi %mul3A_204, %add3A_205 : i32
          %ge3A_207 = arith.constant 3 : i32
          %ge3A_208 = arith.cmpi sge, %add3A_206, %ge3A_207 : i32
          %convert_element_type3A_209 = arith.extui %ge3A_208 : i1 to i32
          %cond3A_210 = arith.constant 0 : i32
          %cond3A_211 = arith.cmpi ne, %convert_element_type3A_209, %cond3A_210 : i32
          scf.if %cond3A_211 {
            %dma_wait3A_237 = arith.constant 0 : i32
            %dma_wait3A_238 = tpu.memref_slice %arg18[%dma_wait3A_237] : memref<1769728xf32, #tpu.memory_space<vmem_shared>> -> memref<1769728xf32, #tpu.memory_space<vmem_shared>>
            tpu.wait_indirect_dma semaphore(%arg27 : memref<!tpu.dma_semaphore, #tpu.memory_space<semaphore_mem>>) src(%arg9 : memref<1536xf32, #tpu.memory_space<vmem>>) dst(%dma_wait3A_238 : memref<1769728xf32, #tpu.memory_space<vmem_shared>>)
          } else {
          }
          %add3A_212 = arith.constant 1 : i32
          %add3A_213 = arith.addi %add3A_206, %add3A_212 : i32
          %lt3A_214 = arith.constant 144 : i32
          %lt3A_215 = arith.cmpi slt, %add3A_213, %lt3A_214 : i32
          %convert_element_type3A_216 = arith.extui %lt3A_215 : i1 to i32
          %cond3A_217 = arith.constant 0 : i32
          %cond3A_218 = arith.cmpi ne, %convert_element_type3A_216, %cond3A_217 : i32
          scf.if %cond3A_218 {
            %add3A_237 = arith.constant 1 : i32
            %add3A_238 = arith.addi %add3A_206, %add3A_237 : i32
            %mul3A_239 = arith.constant 1536 : i32
            %mul3A_240 = arith.muli %add3A_238, %mul3A_239 : i32
            %add3A_241 = arith.addi %add3A_34, %mul3A_240 : i32
            %dma_start3A_242 = tpu.memref_slice %arg3[%add3A_241] : memref<14155776xi32, #tpu.memory_space<hbm>> -> memref<1536xi32, #tpu.memory_space<hbm>>
            %dma_start3A_243 = tpu.memref_slice %arg3[%add3A_241] : memref<14155776xi32, #tpu.memory_space<hbm>> -> memref<1536xi32, #tpu.memory_space<hbm>>
            tpu.enqueue_dma source(%dma_start3A_243 : memref<1536xi32, #tpu.memory_space<hbm>>) target(%arg5 : memref<1536xi32, #tpu.memory_space<vmem>>) target_semaphore(%arg19 : memref<!tpu.dma_semaphore, #tpu.memory_space<semaphore_mem>>)
            %mul3A_244 = arith.constant 1536 : i32
            %mul3A_245 = arith.muli %add3A_238, %mul3A_244 : i32
            %add3A_246 = arith.addi %add3A_34, %mul3A_245 : i32
            %dma_start3A_247 = tpu.memref_slice %arg2[%add3A_246] : memref<14155776xf32, #tpu.memory_space<hbm>> -> memref<1536xf32, #tpu.memory_space<hbm>>
            %dma_start3A_248 = tpu.memref_slice %arg2[%add3A_246] : memref<14155776xf32, #tpu.memory_space<hbm>> -> memref<1536xf32, #tpu.memory_space<hbm>>
            tpu.enqueue_dma source(%dma_start3A_248 : memref<1536xf32, #tpu.memory_space<hbm>>) target(%arg9 : memref<1536xf32, #tpu.memory_space<vmem>>) target_semaphore(%arg23 : memref<!tpu.dma_semaphore, #tpu.memory_space<semaphore_mem>>)
          } else {
          }
          %mul3A_219 = arith.constant 1536 : i32
          %mul3A_220 = arith.muli %add3A_206, %mul3A_219 : i32
          %add3A_221 = arith.addi %add3A_34, %mul3A_220 : i32
          %dma_wait3A_222 = tpu.memref_slice %arg3[%add3A_221] : memref<14155776xi32, #tpu.memory_space<hbm>> -> memref<1536xi32, #tpu.memory_space<hbm>>
          %dma_wait3A_223 = tpu.memref_slice %arg3[%add3A_221] : memref<14155776xi32, #tpu.memory_space<hbm>> -> memref<1536xi32, #tpu.memory_space<hbm>>
          tpu.wait_dma2 semaphore(%arg22 : memref<!tpu.dma_semaphore, #tpu.memory_space<semaphore_mem>>) src(%dma_wait3A_223 : memref<1536xi32, #tpu.memory_space<hbm>>) dst(%arg8 : memref<1536xi32, #tpu.memory_space<vmem>>)
          %mul3A_224 = arith.constant 1536 : i32
          %mul3A_225 = arith.muli %add3A_206, %mul3A_224 : i32
          %add3A_226 = arith.addi %add3A_34, %mul3A_225 : i32
          %dma_wait3A_227 = tpu.memref_slice %arg2[%add3A_226] : memref<14155776xf32, #tpu.memory_space<hbm>> -> memref<1536xf32, #tpu.memory_space<hbm>>
          %dma_wait3A_228 = tpu.memref_slice %arg2[%add3A_226] : memref<14155776xf32, #tpu.memory_space<hbm>> -> memref<1536xf32, #tpu.memory_space<hbm>>
          tpu.wait_dma2 semaphore(%arg26 : memref<!tpu.dma_semaphore, #tpu.memory_space<semaphore_mem>>) src(%dma_wait3A_228 : memref<1536xf32, #tpu.memory_space<hbm>>) dst(%arg12 : memref<1536xf32, #tpu.memory_space<vmem>>)
          %scan3A_229 = arith.constant 0 : i32
          %scan3A_230 = arith.constant 0 : i32
          %scan3A_231 = arith.constant 16 : i32
          %scan3A_232 = arith.addi %scan3A_230, %scan3A_231 : i32
          %scan3A_233 = arith.constant 1 : i32
          scf.for %scan3A_237 = %scan3A_230 to %scan3A_232 step %scan3A_233  : i32 {
            %mul3A_238 = arith.constant 96 : i32
            %mul3A_239 = arith.muli %scan3A_237, %mul3A_238 : i32
            %add3A_240 = arith.constant 0 : i32
            %add3A_241 = arith.addi %mul3A_239, %add3A_240 : i32
            %get3A = arith.index_cast %add3A_241 : i32 to index
            %get3A_242 = tpu.vector_load %arg8[%get3A] {strides = array<i32>} : memref<1536xi32, #tpu.memory_space<vmem>>, vector<16xi32>,
            %get3A_243 = vector.shape_cast %get3A_242 : vector<16xi32> to vector<16xi32>
            %shift_right_logical3A = arith.constant 5 : i32
            %shift_right_logical3A_244 = vector.broadcast %shift_right_logical3A : i32 to vector<16xi32>
            %shift_right_logical3A_245 = arith.shrui %get3A_243, %shift_right_logical3A_244 : vector<16xi32>
            %convert_element_type3A_246 = arith.sitofp %shift_right_logical3A_245 : vector<16xi32> to vector<16xf32>
            %mul3A_247 = vector.broadcast %div3A_1 : f32 to vector<16xf32>
            %mul3A_248 = arith.mulf %convert_element_type3A_246, %mul3A_247 : vector<16xf32>
            %convert_element_type3A_249 = arith.fptosi %mul3A_248 : vector<16xf32> to vector<16xi32>
            %mul3A_250 = arith.constant 96 : i32
            %mul3A_251 = vector.broadcast %mul3A_250 : i32 to vector<16xi32>
            %mul3A_252 = arith.muli %convert_element_type3A_249, %mul3A_251 : vector<16xi32>
            %add3A_253 = arith.addi %mul3A_252, %add3A_37 : vector<16xi32>
            %bitcast3A = vector.bitcast %add3A_253 : vector<16xi32> to vector<16xi32>
            %lt3A_254 = arith.constant 1769472 : i32
            %lt3A_255 = vector.broadcast %lt3A_254 : i32 to vector<16xi32>
            %lt3A_256 = arith.cmpi ult, %bitcast3A, %lt3A_255 : vector<16xi32>
            %select_n3A = arith.select %lt3A_256, %add3A_253, %add3A_5 : vector<16xi1>, vector<16xi32>
            %add3A_257 = arith.constant 0 : i32
            %add3A_258 = arith.addi %mul3A_239, %add3A_257 : i32
            %swap3A = arith.index_cast %add3A_258 : i32 to index
            %swap3A_259 = tpu.vector_load %arg16[%swap3A] {strides = array<i32>} : memref<1536xi32, #tpu.memory_space<vmem>>, vector<16xi32>,
            %swap3A_260 = vector.shape_cast %swap3A_259 : vector<16xi32> to vector<16xi32>
            %swap3A_261 = vector.shape_cast %select_n3A : vector<16xi32> to vector<16xi32>
            tpu.vector_store %arg16[%swap3A], %swap3A_261 {strides = array<i32>} : memref<1536xi32, #tpu.memory_space<vmem>>, vector<16xi32>,
            %add3A_262 = arith.constant 16 : i32
            %add3A_263 = arith.addi %mul3A_239, %add3A_262 : i32
            %get3A_264 = arith.index_cast %add3A_263 : i32 to index
            %get3A_265 = tpu.vector_load %arg8[%get3A_264] {strides = array<i32>} : memref<1536xi32, #tpu.memory_space<vmem>>, vector<16xi32>,
            %get3A_266 = vector.shape_cast %get3A_265 : vector<16xi32> to vector<16xi32>
            %shift_right_logical3A_267 = arith.constant 5 : i32
            %shift_right_logical3A_268 = vector.broadcast %shift_right_logical3A_267 : i32 to vector<16xi32>
            %shift_right_logical3A_269 = arith.shrui %get3A_266, %shift_right_logical3A_268 : vector<16xi32>
            %convert_element_type3A_270 = arith.sitofp %shift_right_logical3A_269 : vector<16xi32> to vector<16xf32>
            %mul3A_271 = vector.broadcast %div3A_1 : f32 to vector<16xf32>
            %mul3A_272 = arith.mulf %convert_element_type3A_270, %mul3A_271 : vector<16xf32>
            %convert_element_type3A_273 = arith.fptosi %mul3A_272 : vector<16xf32> to vector<16xi32>
            %mul3A_274 = arith.constant 96 : i32
            %mul3A_275 = vector.broadcast %mul3A_274 : i32 to vector<16xi32>
            %mul3A_276 = arith.muli %convert_element_type3A_273, %mul3A_275 : vector<16xi32>
            %add3A_277 = arith.addi %mul3A_276, %add3A_41 : vector<16xi32>
            %bitcast3A_278 = vector.bitcast %add3A_277 : vector<16xi32> to vector<16xi32>
            %lt3A_279 = arith.constant 1769472 : i32
            %lt3A_280 = vector.broadcast %lt3A_279 : i32 to vector<16xi32>
            %lt3A_281 = arith.cmpi ult, %bitcast3A_278, %lt3A_280 : vector<16xi32>
            %select_n3A_282 = arith.select %lt3A_281, %add3A_277, %add3A_5 : vector<16xi1>, vector<16xi32>
            %add3A_283 = arith.constant 16 : i32
            %add3A_284 = arith.addi %mul3A_239, %add3A_283 : i32
            %swap3A_285 = arith.index_cast %add3A_284 : i32 to index
            %swap3A_286 = tpu.vector_load %arg16[%swap3A_285] {strides = array<i32>} : memref<1536xi32, #tpu.memory_space<vmem>>, vector<16xi32>,
            %swap3A_287 = vector.shape_cast %swap3A_286 : vector<16xi32> to vector<16xi32>
            %swap3A_288 = vector.shape_cast %select_n3A_282 : vector<16xi32> to vector<16xi32>
            tpu.vector_store %arg16[%swap3A_285], %swap3A_288 {strides = array<i32>} : memref<1536xi32, #tpu.memory_space<vmem>>, vector<16xi32>,
            %add3A_289 = arith.constant 32 : i32
            %add3A_290 = arith.addi %mul3A_239, %add3A_289 : i32
            %get3A_291 = arith.index_cast %add3A_290 : i32 to index
            %get3A_292 = tpu.vector_load %arg8[%get3A_291] {strides = array<i32>} : memref<1536xi32, #tpu.memory_space<vmem>>, vector<16xi32>,
            %get3A_293 = vector.shape_cast %get3A_292 : vector<16xi32> to vector<16xi32>
            %shift_right_logical3A_294 = arith.constant 5 : i32
            %shift_right_logical3A_295 = vector.broadcast %shift_right_logical3A_294 : i32 to vector<16xi32>
            %shift_right_logical3A_296 = arith.shrui %get3A_293, %shift_right_logical3A_295 : vector<16xi32>
            %convert_element_type3A_297 = arith.sitofp %shift_right_logical3A_296 : vector<16xi32> to vector<16xf32>
            %mul3A_298 = vector.broadcast %div3A_1 : f32 to vector<16xf32>
            %mul3A_299 = arith.mulf %convert_element_type3A_297, %mul3A_298 : vector<16xf32>
            %convert_element_type3A_300 = arith.fptosi %mul3A_299 : vector<16xf32> to vector<16xi32>
            %mul3A_301 = arith.constant 96 : i32
            %mul3A_302 = vector.broadcast %mul3A_301 : i32 to vector<16xi32>
            %mul3A_303 = arith.muli %convert_element_type3A_300, %mul3A_302 : vector<16xi32>
            %add3A_304 = arith.addi %mul3A_303, %add3A_45 : vector<16xi32>
            %bitcast3A_305 = vector.bitcast %add3A_304 : vector<16xi32> to vector<16xi32>
            %lt3A_306 = arith.constant 1769472 : i32
            %lt3A_307 = vector.broadcast %lt3A_306 : i32 to vector<16xi32>
            %lt3A_308 = arith.cmpi ult, %bitcast3A_305, %lt3A_307 : vector<16xi32>
            %select_n3A_309 = arith.select %lt3A_308, %add3A_304, %add3A_5 : vector<16xi1>, vector<16xi32>
            %add3A_310 = arith.constant 32 : i32
            %add3A_311 = arith.addi %mul3A_239, %add3A_310 : i32
            %swap3A_312 = arith.index_cast %add3A_311 : i32 to index
            %swap3A_313 = tpu.vector_load %arg16[%swap3A_312] {strides = array<i32>} : memref<1536xi32, #tpu.memory_space<vmem>>, vector<16xi32>,
            %swap3A_314 = vector.shape_cast %swap3A_313 : vector<16xi32> to vector<16xi32>
            %swap3A_315 = vector.shape_cast %select_n3A_309 : vector<16xi32> to vector<16xi32>
            tpu.vector_store %arg16[%swap3A_312], %swap3A_315 {strides = array<i32>} : memref<1536xi32, #tpu.memory_space<vmem>>, vector<16xi32>,
            %add3A_316 = arith.constant 48 : i32
            %add3A_317 = arith.addi %mul3A_239, %add3A_316 : i32
            %get3A_318 = arith.index_cast %add3A_317 : i32 to index
            %get3A_319 = tpu.vector_load %arg8[%get3A_318] {strides = array<i32>} : memref<1536xi32, #tpu.memory_space<vmem>>, vector<16xi32>,
            %get3A_320 = vector.shape_cast %get3A_319 : vector<16xi32> to vector<16xi32>
            %shift_right_logical3A_321 = arith.constant 5 : i32
            %shift_right_logical3A_322 = vector.broadcast %shift_right_logical3A_321 : i32 to vector<16xi32>
            %shift_right_logical3A_323 = arith.shrui %get3A_320, %shift_right_logical3A_322 : vector<16xi32>
            %convert_element_type3A_324 = arith.sitofp %shift_right_logical3A_323 : vector<16xi32> to vector<16xf32>
            %mul3A_325 = vector.broadcast %div3A_1 : f32 to vector<16xf32>
            %mul3A_326 = arith.mulf %convert_element_type3A_324, %mul3A_325 : vector<16xf32>
            %convert_element_type3A_327 = arith.fptosi %mul3A_326 : vector<16xf32> to vector<16xi32>
            %mul3A_328 = arith.constant 96 : i32
            %mul3A_329 = vector.broadcast %mul3A_328 : i32 to vector<16xi32>
            %mul3A_330 = arith.muli %convert_element_type3A_327, %mul3A_329 : vector<16xi32>
            %add3A_331 = arith.addi %mul3A_330, %add3A_49 : vector<16xi32>
            %bitcast3A_332 = vector.bitcast %add3A_331 : vector<16xi32> to vector<16xi32>
            %lt3A_333 = arith.constant 1769472 : i32
            %lt3A_334 = vector.broadcast %lt3A_333 : i32 to vector<16xi32>
            %lt3A_335 = arith.cmpi ult, %bitcast3A_332, %lt3A_334 : vector<16xi32>
            %select_n3A_336 = arith.select %lt3A_335, %add3A_331, %add3A_5 : vector<16xi1>, vector<16xi32>
            %add3A_337 = arith.constant 48 : i32
            %add3A_338 = arith.addi %mul3A_239, %add3A_337 : i32
            %swap3A_339 = arith.index_cast %add3A_338 : i32 to index
            %swap3A_340 = tpu.vector_load %arg16[%swap3A_339] {strides = array<i32>} : memref<1536xi32, #tpu.memory_space<vmem>>, vector<16xi32>,
            %swap3A_341 = vector.shape_cast %swap3A_340 : vector<16xi32> to vector<16xi32>
            %swap3A_342 = vector.shape_cast %select_n3A_336 : vector<16xi32> to vector<16xi32>
            tpu.vector_store %arg16[%swap3A_339], %swap3A_342 {strides = array<i32>} : memref<1536xi32, #tpu.memory_space<vmem>>, vector<16xi32>,
            %add3A_343 = arith.constant 64 : i32
            %add3A_344 = arith.addi %mul3A_239, %add3A_343 : i32
            %get3A_345 = arith.index_cast %add3A_344 : i32 to index
            %get3A_346 = tpu.vector_load %arg8[%get3A_345] {strides = array<i32>} : memref<1536xi32, #tpu.memory_space<vmem>>, vector<16xi32>,
            %get3A_347 = vector.shape_cast %get3A_346 : vector<16xi32> to vector<16xi32>
            %shift_right_logical3A_348 = arith.constant 5 : i32
            %shift_right_logical3A_349 = vector.broadcast %shift_right_logical3A_348 : i32 to vector<16xi32>
            %shift_right_logical3A_350 = arith.shrui %get3A_347, %shift_right_logical3A_349 : vector<16xi32>
            %convert_element_type3A_351 = arith.sitofp %shift_right_logical3A_350 : vector<16xi32> to vector<16xf32>
            %mul3A_352 = vector.broadcast %div3A_1 : f32 to vector<16xf32>
            %mul3A_353 = arith.mulf %convert_element_type3A_351, %mul3A_352 : vector<16xf32>
            %convert_element_type3A_354 = arith.fptosi %mul3A_353 : vector<16xf32> to vector<16xi32>
            %mul3A_355 = arith.constant 96 : i32
            %mul3A_356 = vector.broadcast %mul3A_355 : i32 to vector<16xi32>
            %mul3A_357 = arith.muli %convert_element_type3A_354, %mul3A_356 : vector<16xi32>
            %add3A_358 = arith.addi %mul3A_357, %add3A_53 : vector<16xi32>
            %bitcast3A_359 = vector.bitcast %add3A_358 : vector<16xi32> to vector<16xi32>
            %lt3A_360 = arith.constant 1769472 : i32
            %lt3A_361 = vector.broadcast %lt3A_360 : i32 to vector<16xi32>
            %lt3A_362 = arith.cmpi ult, %bitcast3A_359, %lt3A_361 : vector<16xi32>
            %select_n3A_363 = arith.select %lt3A_362, %add3A_358, %add3A_5 : vector<16xi1>, vector<16xi32>
            %add3A_364 = arith.constant 64 : i32
            %add3A_365 = arith.addi %mul3A_239, %add3A_364 : i32
            %swap3A_366 = arith.index_cast %add3A_365 : i32 to index
            %swap3A_367 = tpu.vector_load %arg16[%swap3A_366] {strides = array<i32>} : memref<1536xi32, #tpu.memory_space<vmem>>, vector<16xi32>,
            %swap3A_368 = vector.shape_cast %swap3A_367 : vector<16xi32> to vector<16xi32>
            %swap3A_369 = vector.shape_cast %select_n3A_363 : vector<16xi32> to vector<16xi32>
            tpu.vector_store %arg16[%swap3A_366], %swap3A_369 {strides = array<i32>} : memref<1536xi32, #tpu.memory_space<vmem>>, vector<16xi32>,
            %add3A_370 = arith.constant 80 : i32
            %add3A_371 = arith.addi %mul3A_239, %add3A_370 : i32
            %get3A_372 = arith.index_cast %add3A_371 : i32 to index
            %get3A_373 = tpu.vector_load %arg8[%get3A_372] {strides = array<i32>} : memref<1536xi32, #tpu.memory_space<vmem>>, vector<16xi32>,
            %get3A_374 = vector.shape_cast %get3A_373 : vector<16xi32> to vector<16xi32>
            %shift_right_logical3A_375 = arith.constant 5 : i32
            %shift_right_logical3A_376 = vector.broadcast %shift_right_logical3A_375 : i32 to vector<16xi32>
            %shift_right_logical3A_377 = arith.shrui %get3A_374, %shift_right_logical3A_376 : vector<16xi32>
            %convert_element_type3A_378 = arith.sitofp %shift_right_logical3A_377 : vector<16xi32> to vector<16xf32>
            %mul3A_379 = vector.broadcast %div3A_1 : f32 to vector<16xf32>
            %mul3A_380 = arith.mulf %convert_element_type3A_378, %mul3A_379 : vector<16xf32>
            %convert_element_type3A_381 = arith.fptosi %mul3A_380 : vector<16xf32> to vector<16xi32>
            %mul3A_382 = arith.constant 96 : i32
            %mul3A_383 = vector.broadcast %mul3A_382 : i32 to vector<16xi32>
            %mul3A_384 = arith.muli %convert_element_type3A_381, %mul3A_383 : vector<16xi32>
            %add3A_385 = arith.addi %mul3A_384, %add3A_57 : vector<16xi32>
            %bitcast3A_386 = vector.bitcast %add3A_385 : vector<16xi32> to vector<16xi32>
            %lt3A_387 = arith.constant 1769472 : i32
            %lt3A_388 = vector.broadcast %lt3A_387 : i32 to vector<16xi32>
            %lt3A_389 = arith.cmpi ult, %bitcast3A_386, %lt3A_388 : vector<16xi32>
            %select_n3A_390 = arith.select %lt3A_389, %add3A_385, %add3A_5 : vector<16xi1>, vector<16xi32>
            %add3A_391 = arith.constant 80 : i32
            %add3A_392 = arith.addi %mul3A_239, %add3A_391 : i32
            %swap3A_393 = arith.index_cast %add3A_392 : i32 to index
            %swap3A_394 = tpu.vector_load %arg16[%swap3A_393] {strides = array<i32>} : memref<1536xi32, #tpu.memory_space<vmem>>, vector<16xi32>,
            %swap3A_395 = vector.shape_cast %swap3A_394 : vector<16xi32> to vector<16xi32>
            %swap3A_396 = vector.shape_cast %select_n3A_390 : vector<16xi32> to vector<16xi32>
            tpu.vector_store %arg16[%swap3A_393], %swap3A_396 {strides = array<i32>} : memref<1536xi32, #tpu.memory_space<vmem>>, vector<16xi32>,
          }
          %scan3A_234 = arith.constant 16 : i32
          %dma_start3A_235 = arith.constant 0 : i32
          %dma_start3A_236 = tpu.memref_slice %arg18[%dma_start3A_235] : memref<1769728xf32, #tpu.memory_space<vmem_shared>> -> memref<1769728xf32, #tpu.memory_space<vmem_shared>>
          tpu.enqueue_indirect_dma source(%arg12 : memref<1536xf32, #tpu.memory_space<vmem>>) target(%dma_start3A_236 : memref<1769728xf32, #tpu.memory_space<vmem_shared>>) offsets(%arg16 : memref<1536xi32, #tpu.memory_space<vmem>>) semaphore(%arg27 : memref<!tpu.dma_semaphore, #tpu.memory_space<semaphore_mem>>) {add = true}
        }
        %scan3A_82 = arith.constant 36 : i32
        %dma_wait3A = arith.constant 0 : i32
        %dma_wait3A_83 = tpu.memref_slice %arg18[%dma_wait3A] : memref<1769728xf32, #tpu.memory_space<vmem_shared>> -> memref<1769728xf32, #tpu.memory_space<vmem_shared>>
        tpu.wait_indirect_dma semaphore(%arg27 : memref<!tpu.dma_semaphore, #tpu.memory_space<semaphore_mem>>) src(%arg9 : memref<1536xf32, #tpu.memory_space<vmem>>) dst(%dma_wait3A_83 : memref<1769728xf32, #tpu.memory_space<vmem_shared>>)
        %dma_wait3A_84 = arith.constant 0 : i32
        %dma_wait3A_85 = tpu.memref_slice %arg18[%dma_wait3A_84] : memref<1769728xf32, #tpu.memory_space<vmem_shared>> -> memref<1769728xf32, #tpu.memory_space<vmem_shared>>
        tpu.wait_indirect_dma semaphore(%arg27 : memref<!tpu.dma_semaphore, #tpu.memory_space<semaphore_mem>>) src(%arg10 : memref<1536xf32, #tpu.memory_space<vmem>>) dst(%dma_wait3A_85 : memref<1769728xf32, #tpu.memory_space<vmem_shared>>)
        %dma_wait3A_86 = arith.constant 0 : i32
        %dma_wait3A_87 = tpu.memref_slice %arg18[%dma_wait3A_86] : memref<1769728xf32, #tpu.memory_space<vmem_shared>> -> memref<1769728xf32, #tpu.memory_space<vmem_shared>>
        tpu.wait_indirect_dma semaphore(%arg27 : memref<!tpu.dma_semaphore, #tpu.memory_space<semaphore_mem>>) src(%arg11 : memref<1536xf32, #tpu.memory_space<vmem>>) dst(%dma_wait3A_87 : memref<1769728xf32, #tpu.memory_space<vmem_shared>>)
        %barrier3A_88 = arith.constant 0 : index
        tpu.barrier barrier_id(%barrier3A_88)
        %mul3A_89 = arith.constant 14155776 : i32
        %mul3A_90 = arith.muli %scan3A_17, %mul3A_89 : i32
        %add3A_91 = arith.addi %mul3A_90, %mul3A_29 : i32
        %mul3A_92 = arith.constant 110592 : i32
        %mul3A_93 = arith.muli %arg1, %mul3A_92 : i32
        %add3A_94 = arith.addi %add3A_91, %mul3A_93 : i32
        %mul3A_95 = arith.constant 110592 : i32
        %mul3A_96 = arith.muli %arg1, %mul3A_95 : i32
        %dma_start3A_97 = tpu.memref_slice %arg4[%add3A_94] : memref<56623104xf32, #tpu.memory_space<hbm>> -> memref<110592xf32, #tpu.memory_space<hbm>>
        %dma_start3A_98 = tpu.memref_slice %arg18[%mul3A_96] : memref<1769728xf32, #tpu.memory_space<vmem_shared>> -> memref<110592xf32, #tpu.memory_space<vmem_shared>>
        tpu.enqueue_dma source(%dma_start3A_98 : memref<110592xf32, #tpu.memory_space<vmem_shared>>) target(%dma_start3A_97 : memref<110592xf32, #tpu.memory_space<hbm>>) target_semaphore(%arg29 : memref<!tpu.dma_semaphore, #tpu.memory_space<semaphore_mem>>)
        %mul3A_99 = arith.constant 110592 : i32
        %mul3A_100 = arith.muli %arg1, %mul3A_99 : i32
        %dma_wait3A_101 = tpu.memref_slice %arg4[%add3A_94] : memref<56623104xf32, #tpu.memory_space<hbm>> -> memref<110592xf32, #tpu.memory_space<hbm>>
        %dma_wait3A_102 = tpu.memref_slice %arg18[%mul3A_100] : memref<1769728xf32, #tpu.memory_space<vmem_shared>> -> memref<110592xf32, #tpu.memory_space<vmem_shared>>
        tpu.wait_dma2 semaphore(%arg29 : memref<!tpu.dma_semaphore, #tpu.memory_space<semaphore_mem>>) src(%dma_wait3A_102 : memref<110592xf32, #tpu.memory_space<vmem_shared>>) dst(%dma_wait3A_101 : memref<110592xf32, #tpu.memory_space<hbm>>)
        %barrier3A_103 = arith.constant 0 : index
        tpu.barrier barrier_id(%barrier3A_103)
      }
      %scan3A_23 = arith.constant 4 : i32
    }
    %scan3A_16 = arith.constant 4 : i32
    return
  }
}

</mosaic_0001>

<sc_bundles>
// kernel: kernel.3.cloned.1.call-start
scs
__scs_entry_jumppad:
0x0: {  	(pc) =	sbr.rel $0x88, $3  }
0x1: {  	(tag) =	ssettag $0x0;
	lr =	simm.s32 $0x1  }
0x2: {  	[smem:$0x3F9F] =	sst lr;
	_ =	strace $0xD0000000  }
0x3: {  	_ = 	snop  }
0x4: {  	_ = 	snop  }
0x5: {  	_ = 	snop  }
0x6: {  	_ = 	snop  }
0x7: {  	_ = 	snop  }
__scs_overlays_trampoline_lowered:
0x8: {  	[smem:$0x3FAE] =	sst s0  }
0x9: {  	[smem:$0x3FAF] =	sst s1  }
0xa: {  	[smem:$0x3FB0] =	sst s2  }
0xb: {  	[smem:$0x3FB1] =	sst s3  }
0xc: {  	[smem:$0x3FB2] =	sst s4  }
0xd: {  	[smem:$0x3FB3] =	sst s5  }
0xe: {  	[smem:$0x3FB4] =	sst s6  }
0xf: {  	[smem:$0x3FB5] =	sst s7  }
0x10: {  	[smem:$0x3FB6] =	sst s8  }
0x11: {  	[smem:$0x3FB7] =	sst s9;
	s0 =	simm.s32 @!p0 $0x0  }
0x12: {  	s1 =	sld [smem:$0x3F9D];
	s0 =	simm.s32 @p0 $0x1  }
0x13: {  	[smem:$0x3FB8] =	sst s0;
	s0 =	simm.s32 @!p1 $0x0  }
0x14: {  	s2 =	sld [smem:$0x3F9C];
	s0 =	simm.s32 @p1 $0x1  }
0x15: {  	[smem:$0x3FB9] =	sst s0;
	s0 =	simm.s32 @!p2 $0x0  }
0x16: {  	s3 =	sld [smem:$0x3FDB];
	s0 =	simm.s32 @p2 $0x1  }
0x17: {  	s4 =	simm.s32 $0x1BF5;
	[smem:$0x3FBB] =	sst s0  }
0x18: {  	s0 =	sld [smem:$0x3F9E];
	_ =	swait.ge [sflag:s4], $0x0  }
0x19: {  	s7 =	sld [smem:$0x3F9F]  }
0x1a: {  	s8 =	sadd.s32 $0xFFFFE003, lr  }
0x1b: {  	s9 =	sadd.s32 $0xFFFFFEF7, lr;
	s5 =	simm.s32 $0xFFFFFFFF;
	p2 =	slt.u32 s8, $0xFFFFF086  }
0x1c: {  	p1 =	slt.u32 s9, $0xF7A;
	s5 =	simm.s32 @!p2 $0x0  }
0x1d: {  	s5 =	simm.s32 @p1 $0x1;
	p0 =	seq.s32 s7, s2  }
0x1e: {  	s7 =	smul.u32 @!p0 $0xF7A, s2;
	p2 =	seq.s32 @!p0 s5, $0x0  }
0x1f: {  	s9 =	smul.u32 $0xF7A, s1;
	s8 =	simm.s32 @!p0 $0x1BF5;
	p2 =	por !p2, p0  }
0x20: {  	[sflag:s8] =	ssyncset.s32 @!p0 $0xFFFFF086;
	s6 =	sadd.s32 @!p0 s3, s7;
	s7 =	simm.s32 @!p0 $0x108  }
0x21: {  	s3 =	sadd.s32 s3, s9;
	s6 =	sadd.s32 @!p0 $0x88, s6;
	s7 =	simm.s32 @p2 $0x1082  }
0x22: {  	[simem:s7], [sflag:s8] =	dma.local @!p0 [hbm:s6], $0xF7A  }
0x23: {  	s9 =	sor.u32 $0xD0000000, s2;
	s6 =	simm.s32 $0x108;
	_ =	swait.ge @!p0 [sflag:s8], $0x0  }
0x24: {  	s3 =	sadd.s32 $0x88, s3;
	s6 =	simm.s32 @!p1 $0x1082;
	[sflag:s4] =	ssyncset.s32 $0xFFFFF086  }
0x25: {  	[simem:s6], [sflag:s4] =	dma.local [hbm:s3], $0xF7A  }
0x26: {  	[smem:$0x3F9F] =	sst s1;
	(tag) =	ssettag s2;
	_ =	strace s9  }
0x27: {  	s1 =	sld [smem:$0x3FAF]  }
0x28: {  	s2 =	sld [smem:$0x3FB0]  }
0x29: {  	s4 =	sld [smem:$0x3FB2]  }
0x2a: {  	p0 =	seq.s32 s5, $0x0;
	s5 =	sld [smem:$0x3FB3]  }
0x2b: {  	s6 =	sld [smem:$0x3FB4]  }
0x2c: {  	s7 =	sld [smem:$0x3FB5]  }
0x2d: {  	s3 =	simm.s32 $0x108;
	s8 =	sld [smem:$0x3FB6]  }
0x2e: {  	s3 =	simm.s32 @!p0 $0x1082;
	s9 =	sld [smem:$0x3FB7]  }
0x2f: {  	lr =	sadd.s32 s0, s3;
	s0 =	sld [smem:$0x3FAE]  }
0x30: {  	s3 =	sld [smem:$0x3FB1]  }
0x31: {  	[smem:$0x3FBA] =	sst s10  }
0x32: {  	s10 =	sld [smem:$0x3FB8];
	_ =	sdelay $0x3  }
0x33: {  	p0 =	seq.s32 s10, $0x1;
	s10 =	sld [smem:$0x3FBA];
	_ =	sdelay $0x3  }
0x34: {  	[smem:$0x3FBA] =	sst s10  }
0x35: {  	s10 =	sld [smem:$0x3FB9];
	_ =	sdelay $0x3  }
0x36: {  	p1 =	seq.s32 s10, $0x1;
	s10 =	sld [smem:$0x3FBA];
	_ =	sdelay $0x3  }
0x37: {  	[smem:$0x3FBA] =	sst s10  }
0x38: {  	s10 =	sld [smem:$0x3FBB]  }
0x39: {  	_ = 	snop;
	(pc) =	sbr.ind lr, $3  }
0x3a: {  	_ = 	snop  }
0x3b: {  	_ = 	snop  }
0x3c: {  	p2 =	seq.s32 s10, $0x1;
	s10 =	sld [smem:$0x3FBA]  }
0x3d: {  	_ =	shalt  }
0x3e: {  	_ =	shalt  }
0x3f: {  	_ =	shalt  }
0x40: {  	_ =	shalt  }
0x41: {  	_ =	shalt  }
0x42: {  	_ =	shalt  }
0x43: {  	_ =	shalt  }
0x44: {  	_ =	shalt  }
0x45: {  	_ =	shalt  }
0x46: {  	_ =	shalt  }
0x47: {  	_ =	shalt  }
0x48: {  	_ =	shalt  }
0x49: {  	_ =	shalt  }
0x4a: {  	_ =	shalt  }
0x4b: {  	_ =	shalt  }
0x4c: {  	_ =	shalt  }
0x4d: {  	_ =	shalt  }
0x4e: {  	_ =	shalt  }
0x4f: {  	_ =	shalt  }
0x50: {  	_ =	shalt  }
0x51: {  	_ =	shalt  }
0x52: {  	_ =	shalt  }
0x53: {  	_ =	shalt  }
0x54: {  	_ =	shalt  }
0x55: {  	_ =	shalt  }
0x56: {  	_ =	shalt  }
0x57: {  	_ =	shalt  }
0x58: {  	_ =	shalt  }
0x59: {  	_ =	shalt  }
0x5a: {  	_ =	shalt  }
0x5b: {  	_ =	shalt  }
0x5c: {  	_ =	shalt  }
0x5d: {  	_ =	shalt  }
0x5e: {  	_ =	shalt  }
0x5f: {  	_ =	shalt  }
0x60: {  	_ =	shalt  }
0x61: {  	_ =	shalt  }
0x62: {  	_ =	shalt  }
0x63: {  	_ =	shalt  }
0x64: {  	_ =	shalt  }
0x65: {  	_ =	shalt  }
0x66: {  	_ =	shalt  }
0x67: {  	_ =	shalt  }
0x68: {  	_ =	shalt  }
0x69: {  	_ =	shalt  }
0x6a: {  	_ =	shalt  }
0x6b: {  	_ =	shalt  }
0x6c: {  	_ =	shalt  }
0x6d: {  	_ =	shalt  }
0x6e: {  	_ =	shalt  }
0x6f: {  	_ =	shalt  }
0x70: {  	_ =	shalt  }
0x71: {  	_ =	shalt  }
0x72: {  	_ =	shalt  }
0x73: {  	_ =	shalt  }
0x74: {  	_ =	shalt  }
0x75: {  	_ =	shalt  }
0x76: {  	_ =	shalt  }
0x77: {  	_ =	shalt  }
0x78: {  	_ =	shalt  }
0x79: {  	_ =	shalt  }
0x7a: {  	_ =	shalt  }
0x7b: {  	_ =	shalt  }
0x7c: {  	_ =	shalt  }
0x7d: {  	_ =	shalt  }
0x7e: {  	_ =	shalt  }
0x7f: {  	_ =	shalt  }
0x80: {  	_ =	shalt  }
0x81: {  	_ =	shalt  }
0x82: {  	_ =	shalt  }
0x83: {  	_ =	shalt  }
0x84: {  	_ =	shalt  }
0x85: {  	_ =	shalt  }
0x86: {  	_ =	shalt  }
0x87: {  	_ =	shalt  }
.Lfunc_end0:
.L_simem_size_0:
called_computation.1_lowered:
.L_overlay_start_0:
0x88: {  	s2 =	sld [smem:$0x3FD9]  }
0x89: {  	s3 =	sld [smem:$0x3FFE];
	_ =	sdelay $0x1  }
0x8a: {  	s1 =	srdreg.scid  }
0x8b: {  	s0 =	sand.u32 $0x1, s1  }
0x8c: {  	s17 =	sshll.u32 s0, $0xA;
	s2 =	sadd.s32 s3, s2  }
0x8d: {  	s2 =	sadd.s32 s2, s17  }
0x8e: {  	[smem:$0x3FC6] =	sst s2  }
0x8f: {  	_ = 	snop  }
0x90: {  	s2 =	sld [smem:$0x3FD0];
	(tm) =	ssettm $0x1  }
0x91: {  	s18 =	sld [smem:$0x3FFB];
	_ =	sdelay $0x3  }
0x92: {  	_ =	strace s18  }
0x93: {  	s3 =	sld [smem:$0x3FFC];
	_ =	sdelay $0x3  }
0x94: {  	_ =	strace s3  }
0x95: {  	s3 =	sld [smem:$0x3FFD];
	_ =	sdelay $0x3  }
0x96: {  	_ =	strace s3  }
0x97: {  	_ =	strace $0x8FFFFFFF  }
0x98: {  	s19 =	sld [smem:$0x3FDB];
	_ =	sdelay $0x1  }
0x99: {  	s4 =	simm.s32 $_scs_section_size  }
0x9a: {  	s5 =	simm.s32 $_size__tile_overlayer_lowered;
	s6 =	simm.s32 $_tile_overlayer_lowered  }
0x9b: {  	s22 =	simm.s32 $0x1BFF;
	s21 =	sshll.u32 s6, $0x1;
	s3 =	sadd.s32 s4, s19  }
0x9c: {  	s7 =	simm.s32 $0x0;
	s20 =	sshll.u32 s5, $0x1;
	s5 =	sadd.s32 s21, s3  }
0x9d: {  	[timem:s7], [sflag:s22] =	dma.local [hbm:s5], s20  }
0x9e: {  	_ =	swait.ge [sflag:s22], s20  }
0x9f: {  	s4 =	ssub.s32 $0x0, s20;
	[sflag:s22] =	ssyncset.done $0x0  }
0xa0: {  	[sflag:s22] =	ssyncadd.s32 s4;
	_ =	sdelay $0x1  }
0xa1: {  	s23 =	simm.s32 $0x1B8B  }
0xa2: {  	_ =	swait.ge [sflag:s23], $0x1  }
0xa3: {  	[sflag:s23] =	ssyncset.done $0x0  }
0xa4: {  	s25 =	simm.s32 $0x1B8E;
	s24 =	sld [smem:$0x3FFE];
	[sflag:s23] =	ssyncadd.s32 $0xFFFFFFFF  }
0xa5: {  	s26 =	simm.s32 $execute0_lowered;
	[smem:$0x3FD2] =	sst s25  }
0xa6: {  	s5 =	sshll.u32 s26, $0x1;
	_ =	strace $0x80000046;
	[dreg:$0x1] =	wrdreg $0xFFFFFFFF  }
0xa7: {  	s28 =	simm.s32 $_size_execute0_lowered;
	s3 =	sadd.s32 s3, s5;
	[dreg:$0x0] =	wrdreg $0x0  }
0xa8: {  	s5 =	sshll.u32 s28, $0x1;
	[dreg:$0x2] =	wrdreg s3  }
0xa9: {  	[dreg:$0x3] =	wrdreg s5  }
0xaa: {  	[dreg:$0x4] =	wrdreg $0xC0  }
0xab: {  	_ =	task [dreg:s7], $0x5FFFF  }
0xac: {  	[dreg:$0x1] =	wrdreg $0xFFFFFFFF  }
0xad: {  	[dreg:$0x0] =	wrdreg $0x60  }
0xae: {  	[dreg:$0x2] =	wrdreg s24  }
0xaf: {  	[dreg:$0x3] =	wrdreg s2  }
0xb0: {  	[dreg:$0x4] =	wrdreg $0x4E000  }
0xb1: {  	[dreg:$0x5] =	wrdreg $0x9  }
0xb2: {  	_ =	task.clear_ibuf [dreg:s7], $0x6FFFF;
	_ =	strace $0x90000046  }
0xb3: {  	s29 =	simm.s32 $0x9;
	_ =	strace $0x80000048  }
0xb4: {  	_ =	swait.ge [sflag:s29], $0x1  }
0xb5: {  	[sflag:s29] =	ssyncadd.s32 $0xFFFFFFFF  }
0xb6: {  	_ =	strace $0x90000048  }
0xb7: {  	_ =	sfence  }
0xb8: {  	s30 =	sld [smem:$0x0];
	_ =	sdelay $0x2  }
0xb9: {  	s31 =	sshll.u32 s1, $0xD;
	s1 =	sshrl.u32 s1, $0x2  }
0xba: {  	s3 =	sand.u32 $0x4000, s31;
	s1 =	sadd.s32 s1, s30  }
0xbb: {  	s0 =	sor.u32 s3, s0;
	s1 =	sshll.u32 s1, $0x11  }
0xbc: {  	s0 =	sor.u32 s1, s0  }
0xbd: {  	s0 =	sadd.s32 $0x8F2B, s0  }
0xbe: {  	[sflag:s0] =	ssyncadd.remote.s32 $0x1  }
0xbf: {  	_ =	sfence.sel $0xFFFF  }
0xc0: {  	[dreg:$0x0] =	wrdreg $0xFFFFFFFF;
	(pc) =	sbr.abs _section_cstart, $3  }
0xc1: {  	[dreg:$0x1] =	wrdreg $0xFFFFFFFF  }
0xc2: {  	_ =	task.clear_ibuf [dreg:s7], $0x2FFFF;
	_ =	strace $0x9FFFFFFF  }
0xc3: {  	(tm) =	ssettm $0x7FFFFFFF  }
tec
execute0_lowered:
.L_overlay_start_1:
0x0: {  	(tag) =	ssettag $0x1  }
0x1: {  	s0 =	rddreg [dreg:$0x0]  }
0x2: {  	s2 =	rddreg [dreg:$0x2];
	s8 =	simm.s32 $0x0;
	s1 =	srdreg.scid  }
0x3: {  	s9 =	stileid.u32;
	s12 =	simm.s32 $0x1800;
	s14 =	simm.s32 $0xA  }
0x4: {  	s15 =	simm.s32 $0x600;
	s16 =	simm.s32 $0x1E00;
	s17 =	simm.s32 $0x1  }
0x5: {  	s18 =	simm.s32 $0x5;
	s21 =	simm.s32 $0x2400;
	s22 =	simm.s32 $0x2  }
0x6: {  	s28 =	simm.s32 $0x2A00;
	s29 =	simm.s32 $0x3;
	s30 =	simm.s32 $0x7  }
0x7: {  	s11 =	simm.s32 $0x4;
	[smem:$0x7FF] =	sst s8;
	s5 =	sadd.s32 $0x800, s0  }
0x8: {  	s1 =	sand.u32 $0x1, s1;
	s4 =	sshll.u32 s9, $0x4;
	s7 =	smul.u32 $0x6C000, s9  }
0x9: {  	s24 =	smul.u32 $0x36000, s9;
	s19 =	ssub.s32 $0x2, s1;
	s1 =	sshll.u32 s1, $0x2  }
0xa: {  	s23 =	smul.u32 $0x1B000, s9;
	_ =	strace $0x80000047;
	[dreg:$0x6] =	wrdreg s1  }
0xb: {  	s6 =	sadd.s32 $0x1B0800, s0;
	s20 =	sor.u32 $0x1B0000, s4;
	[dreg:$0x7] =	wrdreg s24  }
0xc: {  	s3 =	sshrl.u32 s19, $0x1;
	s25 =	sshrl.u32 s7, $0x2;
	[dreg:$0x5] =	wrdreg s23  }
0xd: {  	s26 =	sadd.s32 s23, s2;
	s23 =	simm.s32 $0x6;
	s7 =	simm.s32 $0x4200  }
0xe: {  	s0 =	ssub.s32 s19, s3;
	s10 =	sadd.s32 s25, s2;
	s31 =	sshrl.u32 s26, $0x3  }
0xf: {  	v0 =	vlaneseq.u32;
	s19 =	simm.s32 $0x4800;
	s0 =	smax.u32 s0, $0x1;
	[dreg:$0x9] =	wrdreg s31  }
0x10: {  	v2 =	vimm.f32 $0.0e+00;
	v1 =	vor.u32 s20, v0;
	s3 =	simm.s32 $0x8;
	[dreg:$0x8] =	wrdreg s0;
	s0 =	simm.s32 $0x9  }
.LBB2_1:
0x11: {  	[dreg:$0x4] =	wrdreg s8;
	s1 =	simm.s32 $0x40;
	s4 =	simm.s32 $0x0  }
.LBB2_2:
0x12: {  	p0 =	sne.s32 s1, $0x17C0;
	[tilespmem:s4+$0x4800] =	vst v2;
	s4 =	smov.u32 s1;
	s1 =	sadd.s32 $0x40, s1  }
.Ltmp0:
0x13: {  	(pc) =	sbr.rel @p0 .LBB2_2-.Ltmp0, $2  }
0x14: {  	_ =	sdelay $0x2  }
0x15: {  	s4 =	sshra.s32 s4, $0x2  }
0x16: {  	[tilespmem:s4+$0x4800] =	vst v2;
	s8 =	simm.s32 $0x0  }
.LBB2_4:
0x17: {  	s1 =	smul.u32 $0x360000, s8  }
0x18: {  	s4 =	rddreg [dreg:$0x7]  }
0x19: {  	s4 =	sadd.s32 s4, s1  }
0x1a: {  	[dreg:$0xa] =	wrdreg s8;
	s31 =	smul.u32 $0xD80000, s8;
	s1 =	sshrl.u32 s4, $0x3  }
0x1b: {  	s13 =	rddreg [dreg:$0x5];
	s20 =	simm.s32 $0x0;
	s9 =	sadd.s32 s6, s1  }
0x1c: {  	s8 =	sor.u32 $0x600, s4;
	s1 =	sadd.s32 s5, s1;
	[dreg:$0xb] =	wrdreg s9  }
0x1d: {  	s24 =	sor.u32 $0xC00, s4;
	[dreg:$0xc] =	wrdreg s1;
	s9 =	sadd.s32 s13, s31  }
0x1e: {  	s1 =	sor.u32 $0x1200, s4;
	s4 =	sor.u32 $0x1800, s4;
	[dreg:$0xd] =	wrdreg s9  }
.LBB2_5:
0x1f: {  	s9 =	simm.s32 $0x0;
	s13 =	rddreg [dreg:$0xb]  }
0x20: {  	[tilespmem:s9], [sflag:$0x1] =	stream.linear.gather [hbm4b:s13+s9], $0x600, $0x38;
	[tilespmem:$0x1FE10] =	vst v63  }
0x21: {  	s31 =	rddreg [dreg:$0xc]  }
0x22: {  	[tilespmem:s12], [sflag:$0x5] =	stream.linear.gather [hbm4b:s31+s9], $0x600, $0x38;
	[tilespmem:$0x1FE10] =	vst v63  }
.LBB2_6:
0x23: {  	p0 =	sne.s32 s9, $0x6A800  }
.Ltmp1:
0x24: {  	_ = 	snop;
	(pc) =	sbr.rel @p0 .LBB2_6-.Ltmp1, $4  }
0x25: {  	_ = 	snop  }
0x26: {  	s13 =	sshra.s32 s9, $0x2  }
0x27: {  	s9 =	sadd.s32 $0x1800, s9;
	s13 =	sadd.s32 s13, s10  }
0x28: {  	[spmem:s13] =	stream.linear.scatter [tilespmem:s19], [sflag:$0xA], $0x600, $0x38;
	[tilespmem:$0x1FE10] =	vst v63  }
0x29: {  	_ =	swait.ge [sflag:s14], $0x600  }
0x2a: {  	s9 =	simm.s32 $0x47;
	[sflag:s14] =	ssyncset.done $0x0  }
.LBB2_8:
0x2b: {  	p0 =	sne.s32 s9, $0x1;
	s9 =	sadd.s32 $0xFFFFFFFF, s9;
	[sflag:s14] =	ssyncadd.s32 $0xFFFFFA00  }
.Ltmp2:
0x2c: {  	(pc) =	sbr.rel @p0 .LBB2_8-.Ltmp2, $3  }
0x2d: {  	_ =	sdelay $0x1  }
0x2e: {  	_ =	swait.ge [sflag:s14], $0x600  }
0x2f: {  	[sflag:s14] =	ssyncset.done $0x0  }
0x30: {  	s9 =	rddreg [dreg:$0x6]  }
0x31: {  	s9 =	sadd.s32 s9, s20  }
0x32: {  	[dreg:$0xe] =	wrdreg s20;
	s20 =	smul.u32 $0x1B0000, s9  }
0x33: {  	_ = 	snop  }
0x34: {  	[sflag:s14] =	ssyncadd.s32 $0xFFFFFA00;
	s9 =	ssub.s32 $0x0, s20  }
0x35: {  	s13 =	ssub.s32 $0x10, s20;
	s19 =	ssub.s32 $0x20, s20;
	s25 =	ssub.s32 $0x30, s20  }
0x36: {  	s26 =	ssub.s32 $0x40, s20;
	[dreg:$0xf] =	wrdreg s20;
	s31 =	ssub.s32 $0x50, s20;
	v3 =	vor.u32 s9, v0;
	v4 =	vor.u32 s13, v0;
	v5 =	vor.u32 s19, v0  }
0x37: {  	v6 =	vor.u32 s25, v0;
	v7 =	vor.u32 s26, v0;
	v8 =	vor.u32 s31, v0;
	[bflag:$0x0] =	sbarrier.arrive $0xFFFF;
	s9 =	simm.s32 $0x0;
	s13 =	simm.s32 $0x0  }
.LBB2_10:
0x38: {  	p0 =	seq.s32 s13, $0x0;
	s19 =	smul.u32 $0x1800, s13  }
0x39: {  	s20 =	simm.s32 @!p0 $0x9  }
0x3a: {  	_ =	swait.ge @!p0 [sflag:s20], $0x600;
	s25 =	sadd.s32 s19, s8  }
0x3b: {  	[sflag:s20] =	ssyncset.done @!p0 $0x0;
	s25 =	sshrl.u32 s25, $0x3  }
0x3c: {  	[sflag:s20] =	ssyncadd.s32 @!p0 $0xFFFFFA00;
	s26 =	sadd.s32 s6, s25  }
0x3d: {  	[tilespmem:s15], [sflag:$0x2] =	stream.linear.gather [hbm4b:s26+s9], $0x600, $0x38;
	[tilespmem:$0x1FE10] =	vst v63  }
0x3e: {  	s26 =	sadd.s32 s5, s25  }
0x3f: {  	[tilespmem:s16], [sflag:$0x6] =	stream.linear.gather [hbm4b:s26+s9], $0x600, $0x38;
	[tilespmem:$0x1FE10] =	vst v63  }
0x40: {  	_ =	swait.ge [sflag:s17], $0x600  }
0x41: {  	[sflag:s17] =	ssyncset.done $0x0  }
0x42: {  	[sflag:s17] =	ssyncadd.s32 $0xFFFFFA00  }
0x43: {  	_ =	swait.ge [sflag:s18], $0x600  }
0x44: {  	[sflag:s18] =	ssyncset.done $0x0  }
0x45: {  	s25 =	simm.s32 $0x0;
	[sflag:s18] =	ssyncadd.s32 $0xFFFFFA00  }
0x46: {  	v9 =	vld [tilespmem:s25+$0x50]  }
0x47: {  	v10 =	vld [tilespmem:s25+$0x0]  }
0x48: {  	v11 =	vld [tilespmem:s25+$0x10]  }
0x49: {  	v12 =	vld [tilespmem:s25+$0x20]  }
0x4a: {  	v13 =	vld [tilespmem:s25+$0x30]  }
0x4b: {  	s20 =	simm.s32 $0x60;
	v14 =	vld [tilespmem:s25+$0x40]  }
0x4c: {  	v15 =	vld [tilespmem:s20+$0x50]  }
0x4d: {  	v9 =	vshrl.u32 v9, $0x5  }
0x4e: {  	v10 =	vshrl.u32 v10, $0x5;
	v11 =	vshrl.u32 v11, $0x5;
	v12 =	vshrl.u32 v12, $0x5  }
0x4f: {  	v13 =	vshrl.u32 v13, $0x5;
	v9 =	vcvt.s32.f32 v9;
	v10 =	vcvt.s32.f32 v10  }
0x50: {  	v14 =	vshrl.u32 v14, $0x5;
	v11 =	vcvt.s32.f32 v11;
	v12 =	vcvt.s32.f32 v12  }
0x51: {  	v15 =	vshrl.u32 v15, $0x5;
	v13 =	vcvt.s32.f32 v13;
	v9 =	vmul.f32 $3.333333430e-01, v9  }
0x52: {  	v14 =	vcvt.s32.f32 v14;
	v15 =	vcvt.s32.f32 v15  }
0x53: {  	v10 =	vmul.f32 $3.333333430e-01, v10;
	v9 =	vtrunc.f32 v9  }
0x54: {  	v11 =	vmul.f32 $3.333333430e-01, v11;
	v9 =	vcvt.f32.s32 v9  }
0x55: {  	v12 =	vmul.f32 $3.333333430e-01, v12;
	v13 =	vmul.f32 $3.333333430e-01, v13  }
0x56: {  	v14 =	vmul.f32 $3.333333430e-01, v14;
	v15 =	vmul.f32 $3.333333430e-01, v15;
	v9 =	vmul.u32 $0x60, v9  }
0x57: {  	v10 =	vtrunc.f32 v10;
	v11 =	vtrunc.f32 v11  }
0x58: {  	v12 =	vtrunc.f32 v12;
	v13 =	vtrunc.f32 v13;
	v9 =	vadd.s32 v8, v9  }
0x59: {  	v14 =	vtrunc.f32 v14;
	v15 =	vtrunc.f32 v15;
	vm0 =	vlt.u32 v9, $0x1B0000  }
0x5a: {  	v10 =	vcvt.f32.s32 v10;
	v11 =	vcvt.f32.s32 v11;
	v9 =	vsel vm0, v9, v1  }
0x5b: {  	v12 =	vcvt.f32.s32 v12;
	v13 =	vcvt.f32.s32 v13;
	[tilespmem:s25+$0x3050] =	vst v9  }
0x5c: {  	v14 =	vcvt.f32.s32 v14;
	v15 =	vcvt.f32.s32 v15;
	v16 =	vld [tilespmem:s20+$0x0]  }
0x5d: {  	v10 =	vmul.u32 $0x60, v10;
	v9 =	vmul.u32 $0x60, v11;
	v11 =	vmul.u32 $0x60, v12;
	v12 =	vld [tilespmem:s20+$0x10]  }
0x5e: {  	v13 =	vmul.u32 $0x60, v13;
	v14 =	vmul.u32 $0x60, v14;
	v17 =	vld [tilespmem:s20+$0x20]  }
0x5f: {  	v15 =	vmul.u32 $0x60, v15;
	v10 =	vadd.s32 v3, v10;
	v19 =	vld [tilespmem:s20+$0x30]  }
0x60: {  	v13 =	vadd.s32 v6, v13;
	v18 =	vadd.s32 v4, v9;
	v9 =	vadd.s32 v7, v14;
	v14 =	vld [tilespmem:s20+$0x40]  }
0x61: {  	v15 =	vadd.s32 v8, v15;
	vm1 =	vlt.u32 v10, $0x1B0000;
	vm4 =	vlt.u32 v13, $0x1B0000  }
0x62: {  	v10 =	vsel vm1, v10, v1;
	v13 =	vsel vm4, v13, v1;
	vm1 =	vlt.u32 v15, $0x1B0000  }
0x63: {  	v16 =	vshrl.u32 v16, $0x5;
	v12 =	vshrl.u32 v12, $0x5;
	v17 =	vshrl.u32 v17, $0x5  }
0x64: {  	v19 =	vshrl.u32 v19, $0x5;
	v16 =	vcvt.s32.f32 v16;
	v12 =	vcvt.s32.f32 v12  }
0x65: {  	v17 =	vcvt.s32.f32 v17;
	v19 =	vcvt.s32.f32 v19;
	v14 =	vshrl.u32 v14, $0x5  }
0x66: {  	v15 =	vsel vm1, v15, v1;
	v14 =	vcvt.s32.f32 v14;
	v16 =	vmul.f32 $3.333333430e-01, v16  }
0x67: {  	v11 =	vadd.s32 v5, v11;
	v12 =	vmul.f32 $3.333333430e-01, v12;
	v17 =	vmul.f32 $3.333333430e-01, v17  }
0x68: {  	vm2 =	vlt.u32 v18, $0x1B0000;
	v19 =	vmul.f32 $3.333333430e-01, v19;
	v14 =	vmul.f32 $3.333333430e-01, v14  }
0x69: {  	[tilespmem:s25+$0x3000] =	vst v10;
	vm3 =	vlt.u32 v11, $0x1B0000;
	v16 =	vtrunc.f32 v16;
	v20 =	vtrunc.f32 v12  }
0x6a: {  	[tilespmem:s25+$0x3030] =	vst v13;
	v11 =	vsel vm3, v11, v1;
	v17 =	vtrunc.f32 v17;
	v10 =	vtrunc.f32 v19  }
0x6b: {  	v18 =	vsel vm2, v18, v1;
	[tilespmem:s25+$0x3020] =	vst v11;
	v12 =	vcvt.f32.s32 v16;
	v11 =	vtrunc.f32 v14  }
0x6c: {  	s31 =	simm.s32 $0x480;
	s26 =	simm.s32 $0xC0;
	vm0 =	vlt.u32 v9, $0x1B0000;
	[tilespmem:s25+$0x3010] =	vst v18;
	v14 =	vcvt.f32.s32 v20;
	v13 =	vcvt.f32.s32 v17  }
.LBB2_11:
0x6d: {  	p1 =	sne.s32 s31, $0x1680;
	v16 =	vld [tilespmem:s26+$0x50];
	v12 =	vmul.u32 $0x60, v12;
	v10 =	vcvt.f32.s32 v10;
	v11 =	vcvt.f32.s32 v11;
	[tilespmem:s20+$0x3050] =	vst v15  }
0x6e: {  	v9 =	vsel vm0, v9, v1;
	v15 =	vld [tilespmem:s26+$0x0];
	v14 =	vmul.u32 $0x60, v14;
	v13 =	vmul.u32 $0x60, v13  }
0x6f: {  	v17 =	vld [tilespmem:s26+$0x10];
	v12 =	vadd.s32 v3, v12;
	v10 =	vmul.u32 $0x60, v10;
	v11 =	vmul.u32 $0x60, v11;
	[tilespmem:s25+$0x3040] =	vst v9;
	s25 =	smov.u32 s20;
	s20 =	smov.u32 s26  }
0x70: {  	v18 =	vld [tilespmem:s20+$0x20];
	vm2 =	vlt.u32 v12, $0x1B0000;
	v14 =	vadd.s32 v4, v14;
	v13 =	vadd.s32 v5, v13  }
0x71: {  	v19 =	vld [tilespmem:s20+$0x30];
	vm3 =	vlt.u32 v14, $0x1B0000;
	v10 =	vadd.s32 v6, v10;
	v9 =	vadd.s32 v7, v11  }
0x72: {  	vm4 =	vlt.u32 v13, $0x1B0000;
	v11 =	vld [tilespmem:s20+$0x40];
	v16 =	vshrl.u32 v16, $0x5;
	vm1 =	vlt.u32 v10, $0x1B0000  }
0x73: {  	vm0 =	vlt.u32 v9, $0x1B0000;
	v15 =	vshrl.u32 v15, $0x5;
	v16 =	vcvt.s32.f32 v16  }
0x74: {  	v12 =	vsel vm2, v12, v1;
	v15 =	vcvt.s32.f32 v15;
	v17 =	vshrl.u32 v17, $0x5  }
0x75: {  	v17 =	vcvt.s32.f32 v17;
	v18 =	vshrl.u32 v18, $0x5;
	v16 =	vmul.f32 $3.333333430e-01, v16;
	[tilespmem:s25+$0x3000] =	vst v12  }
0x76: {  	v12 =	vmul.f32 $3.333333430e-01, v15;
	v15 =	vcvt.s32.f32 v18;
	v18 =	vshrl.u32 v19, $0x5  }
0x77: {  	v18 =	vcvt.s32.f32 v18;
	v11 =	vshrl.u32 v11, $0x5;
	v16 =	vtrunc.f32 v16  }
0x78: {  	v14 =	vsel vm3, v14, v1;
	v11 =	vcvt.s32.f32 v11;
	v16 =	vcvt.f32.s32 v16  }
0x79: {  	v13 =	vsel vm4, v13, v1;
	v17 =	vmul.f32 $3.333333430e-01, v17;
	v15 =	vmul.f32 $3.333333430e-01, v15;
	[tilespmem:s25+$0x3010] =	vst v14  }
.Ltmp3:
0x7a: {  	v14 =	vmul.f32 $3.333333430e-01, v18;
	v11 =	vmul.f32 $3.333333430e-01, v11;
	v16 =	vmul.u32 $0x60, v16;
	[tilespmem:s25+$0x3020] =	vst v13;
	(pc) =	sbr.rel @p1 .LBB2_11-.Ltmp3, $4  }
0x7b: {  	v12 =	vtrunc.f32 v12;
	v13 =	vtrunc.f32 v17;
	v17 =	vsel vm1, v10, v1  }
0x7c: {  	v15 =	vtrunc.f32 v15;
	v10 =	vtrunc.f32 v14;
	v16 =	vadd.s32 v8, v16;
	[tilespmem:s25+$0x3030] =	vst v17  }
0x7d: {  	v12 =	vcvt.f32.s32 v12;
	v11 =	vtrunc.f32 v11;
	vm1 =	vlt.u32 v16, $0x1B0000  }
0x7e: {  	s26 =	sshra.s32 s31, $0x2;
	s31 =	sadd.s32 $0x180, s31;
	v14 =	vcvt.f32.s32 v13;
	v13 =	vcvt.f32.s32 v15;
	v15 =	vsel vm1, v16, v1  }
0x7f: {  	v16 =	vld [tilespmem:s26+$0x50];
	[tilespmem:s20+$0x3050] =	vst v15;
	v12 =	vmul.u32 $0x60, v12  }
0x80: {  	v10 =	vcvt.f32.s32 v10;
	v11 =	vcvt.f32.s32 v11;
	v9 =	vsel vm0, v9, v1;
	v15 =	vld [tilespmem:s26+$0x0]  }
0x81: {  	v14 =	vmul.u32 $0x60, v14;
	v17 =	vld [tilespmem:s26+$0x10];
	v13 =	vmul.u32 $0x60, v13;
	[tilespmem:s25+$0x3040] =	vst v9  }
0x82: {  	v12 =	vadd.s32 v3, v12;
	v10 =	vmul.u32 $0x60, v10;
	v9 =	vmul.u32 $0x60, v11;
	v11 =	vld [tilespmem:s26+$0x20]  }
0x83: {  	v18 =	vld [tilespmem:s26+$0x30];
	vm1 =	vlt.u32 v12, $0x1B0000;
	v14 =	vadd.s32 v4, v14  }
0x84: {  	v19 =	vld [tilespmem:s26+$0x40];
	v13 =	vadd.s32 v5, v13;
	vm2 =	vlt.u32 v14, $0x1B0000;
	v10 =	vadd.s32 v6, v10  }
0x85: {  	v9 =	vadd.s32 v7, v9;
	vm3 =	vlt.u32 v13, $0x1B0000;
	v16 =	vshrl.u32 v16, $0x5  }
0x86: {  	v15 =	vshrl.u32 v15, $0x5;
	v16 =	vcvt.s32.f32 v16;
	v17 =	vshrl.u32 v17, $0x5  }
0x87: {  	v12 =	vsel vm1, v12, v1;
	v15 =	vcvt.s32.f32 v15;
	v17 =	vcvt.s32.f32 v17  }
0x88: {  	v11 =	vshrl.u32 v11, $0x5;
	v18 =	vshrl.u32 v18, $0x5;
	v16 =	vmul.f32 $3.333333430e-01, v16  }
0x89: {  	v19 =	vshrl.u32 v19, $0x5;
	v11 =	vcvt.s32.f32 v11;
	v18 =	vcvt.s32.f32 v18  }
0x8a: {  	vm4 =	vlt.u32 v10, $0x1B0000;
	v19 =	vcvt.s32.f32 v19;
	v15 =	vmul.f32 $3.333333430e-01, v15  }
0x8b: {  	vm0 =	vlt.u32 v9, $0x1B0000;
	v17 =	vmul.f32 $3.333333430e-01, v17;
	v16 =	vtrunc.f32 v16  }
0x8c: {  	v14 =	vsel vm2, v14, v1;
	v11 =	vmul.f32 $3.333333430e-01, v11;
	v18 =	vmul.f32 $3.333333430e-01, v18  }
0x8d: {  	v13 =	vsel vm3, v13, v1;
	v19 =	vmul.f32 $3.333333430e-01, v19;
	v16 =	vcvt.f32.s32 v16  }
0x8e: {  	v10 =	vsel vm4, v10, v1;
	v15 =	vtrunc.f32 v15;
	v17 =	vtrunc.f32 v17  }
0x8f: {  	v11 =	vtrunc.f32 v11;
	v18 =	vtrunc.f32 v18;
	v16 =	vmul.u32 $0x60, v16  }
0x90: {  	v9 =	vsel vm0, v9, v1;
	v15 =	vcvt.f32.s32 v15;
	v19 =	vtrunc.f32 v19  }
0x91: {  	[tilespmem:s20+$0x3000] =	vst v12;
	v12 =	vcvt.f32.s32 v17;
	v11 =	vcvt.f32.s32 v11;
	v16 =	vadd.s32 v8, v16  }
0x92: {  	[tilespmem:s20+$0x3020] =	vst v13;
	v13 =	vcvt.f32.s32 v19;
	v15 =	vmul.u32 $0x60, v15;
	vm1 =	vlt.u32 v16, $0x1B0000  }
0x93: {  	[tilespmem:s20+$0x3010] =	vst v14;
	v12 =	vmul.u32 $0x60, v12;
	v14 =	vsel vm1, v16, v1;
	v16 =	vcvt.f32.s32 v18  }
0x94: {  	[tilespmem:s20+$0x3030] =	vst v10;
	v11 =	vmul.u32 $0x60, v11;
	v13 =	vmul.u32 $0x60, v13;
	v10 =	vadd.s32 v3, v15  }
0x95: {  	v12 =	vadd.s32 v4, v12;
	vm0 =	vlt.u32 v10, $0x1B0000;
	[tilespmem:s26+$0x3050] =	vst v14;
	v15 =	vmul.u32 $0x60, v16  }
0x96: {  	vm1 =	vlt.u32 v12, $0x1B0000;
	v10 =	vsel vm0, v10, v1;
	[tilespmem:s20+$0x3040] =	vst v9;
	v9 =	vadd.s32 v5, v11  }
0x97: {  	vm0 =	vlt.u32 v9, $0x1B0000;
	[tilespmem:s26+$0x3000] =	vst v10;
	v10 =	vsel vm1, v12, v1;
	v11 =	vadd.s32 v6, v15  }
0x98: {  	v12 =	vadd.s32 v7, v13;
	[tilespmem:s26+$0x3010] =	vst v10;
	v9 =	vsel vm0, v9, v1;
	vm1 =	vlt.u32 v11, $0x1B0000  }
0x99: {  	vm0 =	vlt.u32 v12, $0x1B0000;
	[tilespmem:s26+$0x3020] =	vst v9;
	v9 =	vsel vm1, v11, v1  }
0x9a: {  	[tilespmem:s26+$0x3030] =	vst v9;
	v9 =	vsel vm0, v12, v1  }
0x9b: {  	s25 =	simm.s32 $0x3000;
	s20 =	simm.s32 @!p0 $0x9;
	[tilespmem:s26+$0x3040] =	vst v9  }
0x9c: {  	[spmem:s2] =	stream.indirect.scatter.add.f32 [tilespmem:s12], [sflag:$0x9], $0x1, s25, s15, $0xb8;
	[tilespmem:$0x1FE10] =	vst v63  }
0x9d: {  	s26 =	sadd.s32 s19, s24;
	_ =	swait.ge @!p0 [sflag:s20], $0x600  }
0x9e: {  	s31 =	simm.s32 $0xC00;
	s25 =	sshrl.u32 s26, $0x3;
	[sflag:s20] =	ssyncset.done @!p0 $0x0  }
0x9f: {  	s26 =	simm.s32 $0x0;
	[sflag:s20] =	ssyncadd.s32 @!p0 $0xFFFFFA00;
	s20 =	sadd.s32 s6, s25  }
0xa0: {  	[tilespmem:s31], [sflag:$0x3] =	stream.linear.gather [hbm4b:s20+s26], $0x600, $0x38;
	[tilespmem:$0x1FE10] =	vst v63  }
0xa1: {  	s25 =	sadd.s32 s5, s25  }
0xa2: {  	[tilespmem:s21], [sflag:$0x7] =	stream.linear.gather [hbm4b:s25+s26], $0x600, $0x38;
	[tilespmem:$0x1FE10] =	vst v63  }
0xa3: {  	_ =	swait.ge [sflag:s22], $0x600  }
0xa4: {  	[sflag:s22] =	ssyncset.done $0x0  }
0xa5: {  	[sflag:s22] =	ssyncadd.s32 $0xFFFFFA00  }
0xa6: {  	_ =	swait.ge [sflag:s23], $0x600  }
0xa7: {  	[sflag:s23] =	ssyncset.done $0x0  }
0xa8: {  	s25 =	simm.s32 $0x0;
	[sflag:s23] =	ssyncadd.s32 $0xFFFFFA00  }
0xa9: {  	v9 =	vld [tilespmem:s25+$0x650]  }
0xaa: {  	v10 =	vld [tilespmem:s25+$0x600]  }
0xab: {  	v11 =	vld [tilespmem:s25+$0x610]  }
0xac: {  	v12 =	vld [tilespmem:s25+$0x620]  }
0xad: {  	v13 =	vld [tilespmem:s25+$0x630]  }
0xae: {  	s20 =	simm.s32 $0x60;
	v14 =	vld [tilespmem:s25+$0x640]  }
0xaf: {  	v15 =	vld [tilespmem:s20+$0x650]  }
0xb0: {  	v9 =	vshrl.u32 v9, $0x5  }
0xb1: {  	v10 =	vshrl.u32 v10, $0x5;
	v11 =	vshrl.u32 v11, $0x5;
	v12 =	vshrl.u32 v12, $0x5  }
0xb2: {  	v13 =	vshrl.u32 v13, $0x5;
	v9 =	vcvt.s32.f32 v9;
	v10 =	vcvt.s32.f32 v10  }
0xb3: {  	v14 =	vshrl.u32 v14, $0x5;
	v11 =	vcvt.s32.f32 v11;
	v12 =	vcvt.s32.f32 v12  }
0xb4: {  	v15 =	vshrl.u32 v15, $0x5;
	v13 =	vcvt.s32.f32 v13;
	v9 =	vmul.f32 $3.333333430e-01, v9  }
0xb5: {  	v14 =	vcvt.s32.f32 v14;
	v15 =	vcvt.s32.f32 v15  }
0xb6: {  	v10 =	vmul.f32 $3.333333430e-01, v10;
	v9 =	vtrunc.f32 v9  }
0xb7: {  	v11 =	vmul.f32 $3.333333430e-01, v11;
	v9 =	vcvt.f32.s32 v9  }
0xb8: {  	v12 =	vmul.f32 $3.333333430e-01, v12;
	v13 =	vmul.f32 $3.333333430e-01, v13  }
0xb9: {  	v14 =	vmul.f32 $3.333333430e-01, v14;
	v15 =	vmul.f32 $3.333333430e-01, v15;
	v9 =	vmul.u32 $0x60, v9  }
0xba: {  	v10 =	vtrunc.f32 v10;
	v11 =	vtrunc.f32 v11  }
0xbb: {  	v12 =	vtrunc.f32 v12;
	v13 =	vtrunc.f32 v13;
	v9 =	vadd.s32 v8, v9  }
0xbc: {  	v14 =	vtrunc.f32 v14;
	v15 =	vtrunc.f32 v15;
	vm0 =	vlt.u32 v9, $0x1B0000  }
0xbd: {  	v10 =	vcvt.f32.s32 v10;
	v11 =	vcvt.f32.s32 v11;
	v9 =	vsel vm0, v9, v1  }
0xbe: {  	v12 =	vcvt.f32.s32 v12;
	v13 =	vcvt.f32.s32 v13;
	[tilespmem:s25+$0x3650] =	vst v9  }
0xbf: {  	v14 =	vcvt.f32.s32 v14;
	v15 =	vcvt.f32.s32 v15;
	v16 =	vld [tilespmem:s20+$0x600]  }
0xc0: {  	v10 =	vmul.u32 $0x60, v10;
	v9 =	vmul.u32 $0x60, v11;
	v11 =	vmul.u32 $0x60, v12;
	v12 =	vld [tilespmem:s20+$0x610]  }
0xc1: {  	v13 =	vmul.u32 $0x60, v13;
	v14 =	vmul.u32 $0x60, v14;
	v17 =	vld [tilespmem:s20+$0x620]  }
0xc2: {  	v15 =	vmul.u32 $0x60, v15;
	v10 =	vadd.s32 v3, v10;
	v63 =	vld [tilespmem:s20+$0x630]  }
0xc3: {  	v13 =	vadd.s32 v6, v13;
	v62 =	vadd.s32 v4, v9;
	v9 =	vadd.s32 v7, v14;
	v14 =	vld [tilespmem:s20+$0x640]  }
0xc4: {  	v15 =	vadd.s32 v8, v15;
	vm1 =	vlt.u32 v10, $0x1B0000;
	vm15 =	vlt.u32 v13, $0x1B0000  }
0xc5: {  	v10 =	vsel vm1, v10, v1;
	v13 =	vsel vm15, v13, v1;
	vm1 =	vlt.u32 v15, $0x1B0000  }
0xc6: {  	v16 =	vshrl.u32 v16, $0x5;
	v12 =	vshrl.u32 v12, $0x5;
	v17 =	vshrl.u32 v17, $0x5  }
0xc7: {  	v19 =	vshrl.u32 v63, $0x5;
	v16 =	vcvt.s32.f32 v16;
	v12 =	vcvt.s32.f32 v12  }
0xc8: {  	v17 =	vcvt.s32.f32 v17;
	v19 =	vcvt.s32.f32 v19;
	v14 =	vshrl.u32 v14, $0x5  }
0xc9: {  	v15 =	vsel vm1, v15, v1;
	v14 =	vcvt.s32.f32 v14;
	v16 =	vmul.f32 $3.333333430e-01, v16  }
0xca: {  	v11 =	vadd.s32 v5, v11;
	v12 =	vmul.f32 $3.333333430e-01, v12;
	v17 =	vmul.f32 $3.333333430e-01, v17  }
0xcb: {  	vm2 =	vlt.u32 v62, $0x1B0000;
	v19 =	vmul.f32 $3.333333430e-01, v19;
	v14 =	vmul.f32 $3.333333430e-01, v14  }
0xcc: {  	[tilespmem:s25+$0x3600] =	vst v10;
	vm3 =	vlt.u32 v11, $0x1B0000;
	v16 =	vtrunc.f32 v16;
	v20 =	vtrunc.f32 v12  }
0xcd: {  	[tilespmem:s25+$0x3630] =	vst v13;
	v11 =	vsel vm3, v11, v1;
	v17 =	vtrunc.f32 v17;
	v10 =	vtrunc.f32 v19  }
0xce: {  	v18 =	vsel vm2, v62, v1;
	[tilespmem:s25+$0x3620] =	vst v11;
	v12 =	vcvt.f32.s32 v16;
	v11 =	vtrunc.f32 v14  }
0xcf: {  	s31 =	simm.s32 $0x480;
	s26 =	simm.s32 $0xC0;
	vm0 =	vlt.u32 v9, $0x1B0000;
	[tilespmem:s25+$0x3610] =	vst v18;
	v14 =	vcvt.f32.s32 v20;
	v13 =	vcvt.f32.s32 v17  }
.LBB2_13:
0xd0: {  	p1 =	sne.s32 s31, $0x1680;
	v16 =	vld [tilespmem:s26+$0x650];
	v12 =	vmul.u32 $0x60, v12;
	v10 =	vcvt.f32.s32 v10;
	v11 =	vcvt.f32.s32 v11;
	[tilespmem:s20+$0x3650] =	vst v15  }
0xd1: {  	v9 =	vsel vm0, v9, v1;
	v15 =	vld [tilespmem:s26+$0x600];
	v14 =	vmul.u32 $0x60, v14;
	v13 =	vmul.u32 $0x60, v13  }
0xd2: {  	v17 =	vld [tilespmem:s26+$0x610];
	v12 =	vadd.s32 v3, v12;
	v10 =	vmul.u32 $0x60, v10;
	v11 =	vmul.u32 $0x60, v11;
	[tilespmem:s25+$0x3640] =	vst v9;
	s25 =	smov.u32 s20;
	s20 =	smov.u32 s26  }
0xd3: {  	v18 =	vld [tilespmem:s20+$0x620];
	vm2 =	vlt.u32 v12, $0x1B0000;
	v14 =	vadd.s32 v4, v14;
	v13 =	vadd.s32 v5, v13  }
0xd4: {  	v19 =	vld [tilespmem:s20+$0x630];
	vm3 =	vlt.u32 v14, $0x1B0000;
	v10 =	vadd.s32 v6, v10;
	v9 =	vadd.s32 v7, v11  }
0xd5: {  	vm4 =	vlt.u32 v13, $0x1B0000;
	v11 =	vld [tilespmem:s20+$0x640];
	v16 =	vshrl.u32 v16, $0x5;
	vm1 =	vlt.u32 v10, $0x1B0000  }
0xd6: {  	vm0 =	vlt.u32 v9, $0x1B0000;
	v15 =	vshrl.u32 v15, $0x5;
	v16 =	vcvt.s32.f32 v16  }
0xd7: {  	v12 =	vsel vm2, v12, v1;
	v15 =	vcvt.s32.f32 v15;
	v17 =	vshrl.u32 v17, $0x5  }
0xd8: {  	v17 =	vcvt.s32.f32 v17;
	v18 =	vshrl.u32 v18, $0x5;
	v16 =	vmul.f32 $3.333333430e-01, v16;
	[tilespmem:s25+$0x3600] =	vst v12  }
0xd9: {  	v12 =	vmul.f32 $3.333333430e-01, v15;
	v15 =	vcvt.s32.f32 v18;
	v18 =	vshrl.u32 v19, $0x5  }
0xda: {  	v18 =	vcvt.s32.f32 v18;
	v11 =	vshrl.u32 v11, $0x5;
	v16 =	vtrunc.f32 v16  }
0xdb: {  	v14 =	vsel vm3, v14, v1;
	v11 =	vcvt.s32.f32 v11;
	v16 =	vcvt.f32.s32 v16  }
0xdc: {  	v13 =	vsel vm4, v13, v1;
	v17 =	vmul.f32 $3.333333430e-01, v17;
	v15 =	vmul.f32 $3.333333430e-01, v15;
	[tilespmem:s25+$0x3610] =	vst v14  }
.Ltmp4:
0xdd: {  	v14 =	vmul.f32 $3.333333430e-01, v18;
	v11 =	vmul.f32 $3.333333430e-01, v11;
	v16 =	vmul.u32 $0x60, v16;
	[tilespmem:s25+$0x3620] =	vst v13;
	(pc) =	sbr.rel @p1 .LBB2_13-.Ltmp4, $4  }
0xde: {  	v12 =	vtrunc.f32 v12;
	v13 =	vtrunc.f32 v17;
	v17 =	vsel vm1, v10, v1  }
0xdf: {  	v15 =	vtrunc.f32 v15;
	v10 =	vtrunc.f32 v14;
	v16 =	vadd.s32 v8, v16;
	[tilespmem:s25+$0x3630] =	vst v17  }
0xe0: {  	v12 =	vcvt.f32.s32 v12;
	v11 =	vtrunc.f32 v11;
	vm1 =	vlt.u32 v16, $0x1B0000  }
0xe1: {  	s26 =	sshra.s32 s31, $0x2;
	s31 =	sadd.s32 $0x180, s31;
	v14 =	vcvt.f32.s32 v13;
	v13 =	vcvt.f32.s32 v15;
	v15 =	vsel vm1, v16, v1  }
0xe2: {  	v16 =	vld [tilespmem:s26+$0x650];
	[tilespmem:s20+$0x3650] =	vst v15;
	v12 =	vmul.u32 $0x60, v12  }
0xe3: {  	v10 =	vcvt.f32.s32 v10;
	v11 =	vcvt.f32.s32 v11;
	v9 =	vsel vm0, v9, v1;
	v15 =	vld [tilespmem:s26+$0x600]  }
0xe4: {  	v14 =	vmul.u32 $0x60, v14;
	v17 =	vld [tilespmem:s26+$0x610];
	v13 =	vmul.u32 $0x60, v13;
	[tilespmem:s25+$0x3640] =	vst v9  }
0xe5: {  	v12 =	vadd.s32 v3, v12;
	v10 =	vmul.u32 $0x60, v10;
	v9 =	vmul.u32 $0x60, v11;
	v11 =	vld [tilespmem:s26+$0x620]  }
0xe6: {  	v18 =	vld [tilespmem:s26+$0x630];
	vm1 =	vlt.u32 v12, $0x1B0000;
	v14 =	vadd.s32 v4, v14  }
0xe7: {  	v19 =	vld [tilespmem:s26+$0x640];
	v13 =	vadd.s32 v5, v13;
	vm2 =	vlt.u32 v14, $0x1B0000;
	v10 =	vadd.s32 v6, v10  }
0xe8: {  	v9 =	vadd.s32 v7, v9;
	vm3 =	vlt.u32 v13, $0x1B0000;
	v16 =	vshrl.u32 v16, $0x5  }
0xe9: {  	v15 =	vshrl.u32 v15, $0x5;
	v16 =	vcvt.s32.f32 v16;
	v17 =	vshrl.u32 v17, $0x5  }
0xea: {  	v12 =	vsel vm1, v12, v1;
	v15 =	vcvt.s32.f32 v15;
	v17 =	vcvt.s32.f32 v17  }
0xeb: {  	v11 =	vshrl.u32 v11, $0x5;
	v18 =	vshrl.u32 v18, $0x5;
	v16 =	vmul.f32 $3.333333430e-01, v16  }
0xec: {  	v19 =	vshrl.u32 v19, $0x5;
	v11 =	vcvt.s32.f32 v11;
	v18 =	vcvt.s32.f32 v18  }
0xed: {  	vm4 =	vlt.u32 v10, $0x1B0000;
	v19 =	vcvt.s32.f32 v19;
	v15 =	vmul.f32 $3.333333430e-01, v15  }
0xee: {  	vm0 =	vlt.u32 v9, $0x1B0000;
	v17 =	vmul.f32 $3.333333430e-01, v17;
	v16 =	vtrunc.f32 v16  }
0xef: {  	v14 =	vsel vm2, v14, v1;
	v11 =	vmul.f32 $3.333333430e-01, v11;
	v18 =	vmul.f32 $3.333333430e-01, v18  }
0xf0: {  	v13 =	vsel vm3, v13, v1;
	v19 =	vmul.f32 $3.333333430e-01, v19;
	v16 =	vcvt.f32.s32 v16  }
0xf1: {  	v10 =	vsel vm4, v10, v1;
	v15 =	vtrunc.f32 v15;
	v17 =	vtrunc.f32 v17  }
0xf2: {  	v11 =	vtrunc.f32 v11;
	v18 =	vtrunc.f32 v18;
	v16 =	vmul.u32 $0x60, v16  }
0xf3: {  	v9 =	vsel vm0, v9, v1;
	v15 =	vcvt.f32.s32 v15;
	v19 =	vtrunc.f32 v19  }
0xf4: {  	[tilespmem:s20+$0x3600] =	vst v12;
	v12 =	vcvt.f32.s32 v17;
	v11 =	vcvt.f32.s32 v11;
	v16 =	vadd.s32 v8, v16  }
0xf5: {  	[tilespmem:s20+$0x3620] =	vst v13;
	v13 =	vcvt.f32.s32 v19;
	v15 =	vmul.u32 $0x60, v15;
	vm1 =	vlt.u32 v16, $0x1B0000  }
0xf6: {  	[tilespmem:s20+$0x3610] =	vst v14;
	v12 =	vmul.u32 $0x60, v12;
	v14 =	vsel vm1, v16, v1;
	v16 =	vcvt.f32.s32 v18  }
0xf7: {  	[tilespmem:s20+$0x3630] =	vst v10;
	v11 =	vmul.u32 $0x60, v11;
	v13 =	vmul.u32 $0x60, v13;
	v10 =	vadd.s32 v3, v15  }
0xf8: {  	v12 =	vadd.s32 v4, v12;
	vm0 =	vlt.u32 v10, $0x1B0000;
	[tilespmem:s26+$0x3650] =	vst v14;
	v15 =	vmul.u32 $0x60, v16  }
0xf9: {  	vm1 =	vlt.u32 v12, $0x1B0000;
	v10 =	vsel vm0, v10, v1;
	[tilespmem:s20+$0x3640] =	vst v9;
	v9 =	vadd.s32 v5, v11  }
0xfa: {  	vm0 =	vlt.u32 v9, $0x1B0000;
	[tilespmem:s26+$0x3600] =	vst v10;
	v10 =	vsel vm1, v12, v1;
	v11 =	vadd.s32 v6, v15  }
0xfb: {  	v12 =	vadd.s32 v7, v13;
	[tilespmem:s26+$0x3610] =	vst v10;
	v9 =	vsel vm0, v9, v1;
	vm1 =	vlt.u32 v11, $0x1B0000  }
0xfc: {  	vm0 =	vlt.u32 v12, $0x1B0000;
	[tilespmem:s26+$0x3620] =	vst v9;
	v9 =	vsel vm1, v11, v1  }
0xfd: {  	[tilespmem:s26+$0x3630] =	vst v9;
	v9 =	vsel vm0, v12, v1  }
0xfe: {  	s25 =	simm.s32 $0x3600;
	s20 =	simm.s32 @!p0 $0x9;
	[tilespmem:s26+$0x3640] =	vst v9  }
0xff: {  	[spmem:s2] =	stream.indirect.scatter.add.f32 [tilespmem:s16], [sflag:$0x9], $0x1, s25, s15, $0xb8;
	[tilespmem:$0x1FE10] =	vst v63  }
0x100: {  	s26 =	sadd.s32 s19, s1;
	_ =	swait.ge @!p0 [sflag:s20], $0x600  }
0x101: {  	s31 =	simm.s32 $0x1200;
	s25 =	sshrl.u32 s26, $0x3;
	[sflag:s20] =	ssyncset.done @!p0 $0x0  }
0x102: {  	s26 =	simm.s32 $0x0;
	[sflag:s20] =	ssyncadd.s32 @!p0 $0xFFFFFA00;
	s20 =	sadd.s32 s6, s25  }
0x103: {  	[tilespmem:s31], [sflag:$0x4] =	stream.linear.gather [hbm4b:s20+s26], $0x600, $0x38;
	[tilespmem:$0x1FE10] =	vst v63  }
0x104: {  	s25 =	sadd.s32 s5, s25  }
0x105: {  	[tilespmem:s28], [sflag:$0x8] =	stream.linear.gather [hbm4b:s25+s26], $0x600, $0x38;
	[tilespmem:$0x1FE10] =	vst v63  }
0x106: {  	_ =	swait.ge [sflag:s29], $0x600  }
0x107: {  	[sflag:s29] =	ssyncset.done $0x0  }
0x108: {  	[sflag:s29] =	ssyncadd.s32 $0xFFFFFA00  }
0x109: {  	_ =	swait.ge [sflag:s30], $0x600  }
0x10a: {  	[sflag:s30] =	ssyncset.done $0x0  }
0x10b: {  	s25 =	simm.s32 $0x0;
	[sflag:s30] =	ssyncadd.s32 $0xFFFFFA00  }
0x10c: {  	v9 =	vld [tilespmem:s25+$0xC50]  }
0x10d: {  	v10 =	vld [tilespmem:s25+$0xC00]  }
0x10e: {  	v11 =	vld [tilespmem:s25+$0xC10]  }
0x10f: {  	v12 =	vld [tilespmem:s25+$0xC20]  }
0x110: {  	v13 =	vld [tilespmem:s25+$0xC30]  }
0x111: {  	s20 =	simm.s32 $0x60;
	v14 =	vld [tilespmem:s25+$0xC40]  }
0x112: {  	v15 =	vld [tilespmem:s20+$0xC50]  }
0x113: {  	v9 =	vshrl.u32 v9, $0x5  }
0x114: {  	v10 =	vshrl.u32 v10, $0x5;
	v11 =	vshrl.u32 v11, $0x5;
	v12 =	vshrl.u32 v12, $0x5  }
0x115: {  	v13 =	vshrl.u32 v13, $0x5;
	v9 =	vcvt.s32.f32 v9;
	v10 =	vcvt.s32.f32 v10  }
0x116: {  	v14 =	vshrl.u32 v14, $0x5;
	v11 =	vcvt.s32.f32 v11;
	v12 =	vcvt.s32.f32 v12  }
0x117: {  	v15 =	vshrl.u32 v15, $0x5;
	v13 =	vcvt.s32.f32 v13;
	v9 =	vmul.f32 $3.333333430e-01, v9  }
0x118: {  	v14 =	vcvt.s32.f32 v14;
	v15 =	vcvt.s32.f32 v15  }
0x119: {  	v10 =	vmul.f32 $3.333333430e-01, v10;
	v9 =	vtrunc.f32 v9  }
0x11a: {  	v11 =	vmul.f32 $3.333333430e-01, v11;
	v9 =	vcvt.f32.s32 v9  }
0x11b: {  	v12 =	vmul.f32 $3.333333430e-01, v12;
	v13 =	vmul.f32 $3.333333430e-01, v13  }
0x11c: {  	v14 =	vmul.f32 $3.333333430e-01, v14;
	v15 =	vmul.f32 $3.333333430e-01, v15;
	v9 =	vmul.u32 $0x60, v9  }
0x11d: {  	v10 =	vtrunc.f32 v10;
	v11 =	vtrunc.f32 v11  }
0x11e: {  	v12 =	vtrunc.f32 v12;
	v13 =	vtrunc.f32 v13;
	v9 =	vadd.s32 v8, v9  }
0x11f: {  	v14 =	vtrunc.f32 v14;
	v15 =	vtrunc.f32 v15;
	vm0 =	vlt.u32 v9, $0x1B0000  }
0x120: {  	v10 =	vcvt.f32.s32 v10;
	v11 =	vcvt.f32.s32 v11;
	v9 =	vsel vm0, v9, v1  }
0x121: {  	v12 =	vcvt.f32.s32 v12;
	v13 =	vcvt.f32.s32 v13;
	[tilespmem:s25+$0x3C50] =	vst v9  }
0x122: {  	v14 =	vcvt.f32.s32 v14;
	v15 =	vcvt.f32.s32 v15;
	v16 =	vld [tilespmem:s20+$0xC00]  }
0x123: {  	v10 =	vmul.u32 $0x60, v10;
	v9 =	vmul.u32 $0x60, v11;
	v11 =	vmul.u32 $0x60, v12;
	v12 =	vld [tilespmem:s20+$0xC10]  }
0x124: {  	v13 =	vmul.u32 $0x60, v13;
	v14 =	vmul.u32 $0x60, v14;
	v17 =	vld [tilespmem:s20+$0xC20]  }
0x125: {  	v15 =	vmul.u32 $0x60, v15;
	v10 =	vadd.s32 v3, v10;
	v63 =	vld [tilespmem:s20+$0xC30]  }
0x126: {  	v13 =	vadd.s32 v6, v13;
	v62 =	vadd.s32 v4, v9;
	v9 =	vadd.s32 v7, v14;
	v14 =	vld [tilespmem:s20+$0xC40]  }
0x127: {  	v15 =	vadd.s32 v8, v15;
	vm1 =	vlt.u32 v10, $0x1B0000;
	vm15 =	vlt.u32 v13, $0x1B0000  }
0x128: {  	v10 =	vsel vm1, v10, v1;
	v13 =	vsel vm15, v13, v1;
	vm1 =	vlt.u32 v15, $0x1B0000  }
0x129: {  	v16 =	vshrl.u32 v16, $0x5;
	v12 =	vshrl.u32 v12, $0x5;
	v17 =	vshrl.u32 v17, $0x5  }
0x12a: {  	v19 =	vshrl.u32 v63, $0x5;
	v16 =	vcvt.s32.f32 v16;
	v12 =	vcvt.s32.f32 v12  }
0x12b: {  	v17 =	vcvt.s32.f32 v17;
	v19 =	vcvt.s32.f32 v19;
	v14 =	vshrl.u32 v14, $0x5  }
0x12c: {  	v15 =	vsel vm1, v15, v1;
	v14 =	vcvt.s32.f32 v14;
	v16 =	vmul.f32 $3.333333430e-01, v16  }
0x12d: {  	v11 =	vadd.s32 v5, v11;
	v12 =	vmul.f32 $3.333333430e-01, v12;
	v17 =	vmul.f32 $3.333333430e-01, v17  }
0x12e: {  	vm2 =	vlt.u32 v62, $0x1B0000;
	v19 =	vmul.f32 $3.333333430e-01, v19;
	v14 =	vmul.f32 $3.333333430e-01, v14  }
0x12f: {  	[tilespmem:s25+$0x3C00] =	vst v10;
	vm3 =	vlt.u32 v11, $0x1B0000;
	v16 =	vtrunc.f32 v16;
	v20 =	vtrunc.f32 v12  }
0x130: {  	[tilespmem:s25+$0x3C30] =	vst v13;
	v11 =	vsel vm3, v11, v1;
	v17 =	vtrunc.f32 v17;
	v10 =	vtrunc.f32 v19  }
0x131: {  	v18 =	vsel vm2, v62, v1;
	[tilespmem:s25+$0x3C20] =	vst v11;
	v12 =	vcvt.f32.s32 v16;
	v11 =	vtrunc.f32 v14  }
0x132: {  	s31 =	simm.s32 $0x480;
	s26 =	simm.s32 $0xC0;
	vm0 =	vlt.u32 v9, $0x1B0000;
	[tilespmem:s25+$0x3C10] =	vst v18;
	v14 =	vcvt.f32.s32 v20;
	v13 =	vcvt.f32.s32 v17  }
.LBB2_15:
0x133: {  	p0 =	sne.s32 s31, $0x1680;
	v16 =	vld [tilespmem:s26+$0xC50];
	v12 =	vmul.u32 $0x60, v12;
	v10 =	vcvt.f32.s32 v10;
	v11 =	vcvt.f32.s32 v11;
	[tilespmem:s20+$0x3C50] =	vst v15  }
0x134: {  	v9 =	vsel vm0, v9, v1;
	v15 =	vld [tilespmem:s26+$0xC00];
	v14 =	vmul.u32 $0x60, v14;
	v13 =	vmul.u32 $0x60, v13  }
0x135: {  	v17 =	vld [tilespmem:s26+$0xC10];
	v12 =	vadd.s32 v3, v12;
	v10 =	vmul.u32 $0x60, v10;
	v11 =	vmul.u32 $0x60, v11;
	[tilespmem:s25+$0x3C40] =	vst v9;
	s25 =	smov.u32 s20;
	s20 =	smov.u32 s26  }
0x136: {  	v18 =	vld [tilespmem:s20+$0xC20];
	vm2 =	vlt.u32 v12, $0x1B0000;
	v14 =	vadd.s32 v4, v14;
	v13 =	vadd.s32 v5, v13  }
0x137: {  	v19 =	vld [tilespmem:s20+$0xC30];
	vm3 =	vlt.u32 v14, $0x1B0000;
	v10 =	vadd.s32 v6, v10;
	v9 =	vadd.s32 v7, v11  }
0x138: {  	vm4 =	vlt.u32 v13, $0x1B0000;
	v11 =	vld [tilespmem:s20+$0xC40];
	v16 =	vshrl.u32 v16, $0x5;
	vm1 =	vlt.u32 v10, $0x1B0000  }
0x139: {  	vm0 =	vlt.u32 v9, $0x1B0000;
	v15 =	vshrl.u32 v15, $0x5;
	v16 =	vcvt.s32.f32 v16  }
0x13a: {  	v12 =	vsel vm2, v12, v1;
	v15 =	vcvt.s32.f32 v15;
	v17 =	vshrl.u32 v17, $0x5  }
0x13b: {  	v17 =	vcvt.s32.f32 v17;
	v18 =	vshrl.u32 v18, $0x5;
	v16 =	vmul.f32 $3.333333430e-01, v16;
	[tilespmem:s25+$0x3C00] =	vst v12  }
0x13c: {  	v12 =	vmul.f32 $3.333333430e-01, v15;
	v15 =	vcvt.s32.f32 v18;
	v18 =	vshrl.u32 v19, $0x5  }
0x13d: {  	v18 =	vcvt.s32.f32 v18;
	v11 =	vshrl.u32 v11, $0x5;
	v16 =	vtrunc.f32 v16  }
0x13e: {  	v14 =	vsel vm3, v14, v1;
	v11 =	vcvt.s32.f32 v11;
	v16 =	vcvt.f32.s32 v16  }
0x13f: {  	v13 =	vsel vm4, v13, v1;
	v17 =	vmul.f32 $3.333333430e-01, v17;
	v15 =	vmul.f32 $3.333333430e-01, v15;
	[tilespmem:s25+$0x3C10] =	vst v14  }
.Ltmp5:
0x140: {  	v14 =	vmul.f32 $3.333333430e-01, v18;
	v11 =	vmul.f32 $3.333333430e-01, v11;
	v16 =	vmul.u32 $0x60, v16;
	[tilespmem:s25+$0x3C20] =	vst v13;
	(pc) =	sbr.rel @p0 .LBB2_15-.Ltmp5, $4  }
0x141: {  	v12 =	vtrunc.f32 v12;
	v13 =	vtrunc.f32 v17;
	v17 =	vsel vm1, v10, v1  }
0x142: {  	v15 =	vtrunc.f32 v15;
	v10 =	vtrunc.f32 v14;
	v16 =	vadd.s32 v8, v16;
	[tilespmem:s25+$0x3C30] =	vst v17  }
0x143: {  	v12 =	vcvt.f32.s32 v12;
	v11 =	vtrunc.f32 v11;
	vm1 =	vlt.u32 v16, $0x1B0000  }
0x144: {  	s26 =	sshra.s32 s31, $0x2;
	s31 =	sadd.s32 $0x180, s31;
	v14 =	vcvt.f32.s32 v13;
	v13 =	vcvt.f32.s32 v15;
	v15 =	vsel vm1, v16, v1  }
0x145: {  	v16 =	vld [tilespmem:s26+$0xC50];
	[tilespmem:s20+$0x3C50] =	vst v15;
	v12 =	vmul.u32 $0x60, v12  }
0x146: {  	v10 =	vcvt.f32.s32 v10;
	v11 =	vcvt.f32.s32 v11;
	v9 =	vsel vm0, v9, v1;
	v15 =	vld [tilespmem:s26+$0xC00]  }
0x147: {  	v14 =	vmul.u32 $0x60, v14;
	v17 =	vld [tilespmem:s26+$0xC10];
	v13 =	vmul.u32 $0x60, v13;
	[tilespmem:s25+$0x3C40] =	vst v9  }
0x148: {  	v12 =	vadd.s32 v3, v12;
	v10 =	vmul.u32 $0x60, v10;
	v9 =	vmul.u32 $0x60, v11;
	v11 =	vld [tilespmem:s26+$0xC20]  }
0x149: {  	v18 =	vld [tilespmem:s26+$0xC30];
	vm1 =	vlt.u32 v12, $0x1B0000;
	v14 =	vadd.s32 v4, v14  }
0x14a: {  	v19 =	vld [tilespmem:s26+$0xC40];
	v13 =	vadd.s32 v5, v13;
	vm2 =	vlt.u32 v14, $0x1B0000;
	v10 =	vadd.s32 v6, v10  }
0x14b: {  	v9 =	vadd.s32 v7, v9;
	vm3 =	vlt.u32 v13, $0x1B0000;
	v16 =	vshrl.u32 v16, $0x5  }
0x14c: {  	v15 =	vshrl.u32 v15, $0x5;
	v16 =	vcvt.s32.f32 v16;
	v17 =	vshrl.u32 v17, $0x5  }
0x14d: {  	v12 =	vsel vm1, v12, v1;
	v15 =	vcvt.s32.f32 v15;
	v17 =	vcvt.s32.f32 v17  }
0x14e: {  	v11 =	vshrl.u32 v11, $0x5;
	v18 =	vshrl.u32 v18, $0x5;
	v16 =	vmul.f32 $3.333333430e-01, v16  }
0x14f: {  	v19 =	vshrl.u32 v19, $0x5;
	v11 =	vcvt.s32.f32 v11;
	v18 =	vcvt.s32.f32 v18  }
0x150: {  	vm4 =	vlt.u32 v10, $0x1B0000;
	v19 =	vcvt.s32.f32 v19;
	v15 =	vmul.f32 $3.333333430e-01, v15  }
0x151: {  	vm0 =	vlt.u32 v9, $0x1B0000;
	v17 =	vmul.f32 $3.333333430e-01, v17;
	v16 =	vtrunc.f32 v16  }
0x152: {  	v14 =	vsel vm2, v14, v1;
	v11 =	vmul.f32 $3.333333430e-01, v11;
	v18 =	vmul.f32 $3.333333430e-01, v18  }
0x153: {  	v13 =	vsel vm3, v13, v1;
	v19 =	vmul.f32 $3.333333430e-01, v19;
	v16 =	vcvt.f32.s32 v16  }
0x154: {  	v10 =	vsel vm4, v10, v1;
	v15 =	vtrunc.f32 v15;
	v17 =	vtrunc.f32 v17  }
0x155: {  	v11 =	vtrunc.f32 v11;
	v18 =	vtrunc.f32 v18;
	v16 =	vmul.u32 $0x60, v16  }
0x156: {  	v9 =	vsel vm0, v9, v1;
	v15 =	vcvt.f32.s32 v15;
	v19 =	vtrunc.f32 v19  }
0x157: {  	[tilespmem:s20+$0x3C00] =	vst v12;
	v12 =	vcvt.f32.s32 v17;
	v11 =	vcvt.f32.s32 v11;
	v16 =	vadd.s32 v8, v16  }
0x158: {  	[tilespmem:s20+$0x3C20] =	vst v13;
	v13 =	vcvt.f32.s32 v19;
	v15 =	vmul.u32 $0x60, v15;
	vm1 =	vlt.u32 v16, $0x1B0000  }
0x159: {  	[tilespmem:s20+$0x3C10] =	vst v14;
	v12 =	vmul.u32 $0x60, v12;
	v14 =	vsel vm1, v16, v1;
	v16 =	vcvt.f32.s32 v18  }
0x15a: {  	[tilespmem:s20+$0x3C30] =	vst v10;
	v11 =	vmul.u32 $0x60, v11;
	v13 =	vmul.u32 $0x60, v13;
	v10 =	vadd.s32 v3, v15  }
0x15b: {  	v12 =	vadd.s32 v4, v12;
	vm0 =	vlt.u32 v10, $0x1B0000;
	[tilespmem:s26+$0x3C50] =	vst v14;
	v15 =	vmul.u32 $0x60, v16  }
0x15c: {  	vm1 =	vlt.u32 v12, $0x1B0000;
	v10 =	vsel vm0, v10, v1;
	[tilespmem:s20+$0x3C40] =	vst v9;
	v9 =	vadd.s32 v5, v11  }
0x15d: {  	vm0 =	vlt.u32 v9, $0x1B0000;
	[tilespmem:s26+$0x3C00] =	vst v10;
	v10 =	vsel vm1, v12, v1;
	v11 =	vadd.s32 v6, v15  }
0x15e: {  	v12 =	vadd.s32 v7, v13;
	[tilespmem:s26+$0x3C10] =	vst v10;
	v9 =	vsel vm0, v9, v1;
	vm1 =	vlt.u32 v11, $0x1B0000  }
0x15f: {  	vm0 =	vlt.u32 v12, $0x1B0000;
	[tilespmem:s26+$0x3C20] =	vst v9;
	v9 =	vsel vm1, v11, v1  }
0x160: {  	[tilespmem:s26+$0x3C30] =	vst v9;
	v9 =	vsel vm0, v12, v1  }
0x161: {  	s31 =	simm.s32 $0x3C00;
	p0 =	seq.s32 s13, $0x23;
	[tilespmem:s26+$0x3C40] =	vst v9  }
0x162: {  	[spmem:s2] =	stream.indirect.scatter.add.f32 [tilespmem:s21], [sflag:$0x9], $0x1, s31, s15, $0xb8;
	[tilespmem:$0x1FE10] =	vst v63  }
0x163: {  	s19 =	sadd.s32 @!p0 s19, s4;
	_ =	swait.ge [sflag:s0], $0x600  }
0x164: {  	s19 =	sshrl.u32 @!p0 s19, $0x3;
	[sflag:s0] =	ssyncset.done $0x0  }
0x165: {  	s25 =	simm.s32 @!p0 $0x0;
	s20 =	sadd.s32 @!p0 s6, s19;
	[sflag:s0] =	ssyncadd.s32 $0xFFFFFA00  }
0x166: {  	[tilespmem:s25], [sflag:$0x1] =	stream.linear.gather @!p0 [hbm4b:s20+s25], $0x600, $0x38;
	[tilespmem:$0x1FE10] =	vst v63  }
0x167: {  	s19 =	sadd.s32 @!p0 s5, s19;
	s20 =	simm.s32 @!p0 $0x1800  }
0x168: {  	[tilespmem:s20], [sflag:$0x5] =	stream.linear.gather @!p0 [hbm4b:s19+s25], $0x600, $0x38;
	[tilespmem:$0x1FE10] =	vst v63  }
0x169: {  	_ =	swait.ge [sflag:s11], $0x600  }
0x16a: {  	[sflag:s11] =	ssyncset.done $0x0  }
0x16b: {  	[sflag:s11] =	ssyncadd.s32 $0xFFFFFA00  }
0x16c: {  	_ =	swait.ge [sflag:s3], $0x600  }
0x16d: {  	[sflag:s3] =	ssyncset.done $0x0  }
0x16e: {  	s20 =	simm.s32 $0x0;
	[sflag:s3] =	ssyncadd.s32 $0xFFFFFA00  }
0x16f: {  	v9 =	vld [tilespmem:s20+$0x1250]  }
0x170: {  	v10 =	vld [tilespmem:s20+$0x1200]  }
0x171: {  	v11 =	vld [tilespmem:s20+$0x1210]  }
0x172: {  	v12 =	vld [tilespmem:s20+$0x1220]  }
0x173: {  	v13 =	vld [tilespmem:s20+$0x1230]  }
0x174: {  	s19 =	simm.s32 $0x60;
	v14 =	vld [tilespmem:s20+$0x1240]  }
0x175: {  	v15 =	vld [tilespmem:s19+$0x1250]  }
0x176: {  	v9 =	vshrl.u32 v9, $0x5  }
0x177: {  	v10 =	vshrl.u32 v10, $0x5;
	v11 =	vshrl.u32 v11, $0x5;
	v12 =	vshrl.u32 v12, $0x5  }
0x178: {  	v13 =	vshrl.u32 v13, $0x5;
	v9 =	vcvt.s32.f32 v9;
	v10 =	vcvt.s32.f32 v10  }
0x179: {  	v14 =	vshrl.u32 v14, $0x5;
	v11 =	vcvt.s32.f32 v11;
	v12 =	vcvt.s32.f32 v12  }
0x17a: {  	v15 =	vshrl.u32 v15, $0x5;
	v13 =	vcvt.s32.f32 v13;
	v9 =	vmul.f32 $3.333333430e-01, v9  }
0x17b: {  	v14 =	vcvt.s32.f32 v14;
	v15 =	vcvt.s32.f32 v15  }
0x17c: {  	v10 =	vmul.f32 $3.333333430e-01, v10;
	v9 =	vtrunc.f32 v9  }
0x17d: {  	v11 =	vmul.f32 $3.333333430e-01, v11;
	v9 =	vcvt.f32.s32 v9  }
0x17e: {  	v12 =	vmul.f32 $3.333333430e-01, v12;
	v13 =	vmul.f32 $3.333333430e-01, v13  }
0x17f: {  	v14 =	vmul.f32 $3.333333430e-01, v14;
	v15 =	vmul.f32 $3.333333430e-01, v15;
	v9 =	vmul.u32 $0x60, v9  }
0x180: {  	v10 =	vtrunc.f32 v10;
	v11 =	vtrunc.f32 v11  }
0x181: {  	v12 =	vtrunc.f32 v12;
	v13 =	vtrunc.f32 v13;
	v9 =	vadd.s32 v8, v9  }
0x182: {  	v14 =	vtrunc.f32 v14;
	v15 =	vtrunc.f32 v15;
	vm0 =	vlt.u32 v9, $0x1B0000  }
0x183: {  	v10 =	vcvt.f32.s32 v10;
	v11 =	vcvt.f32.s32 v11;
	v9 =	vsel vm0, v9, v1  }
0x184: {  	v12 =	vcvt.f32.s32 v12;
	v13 =	vcvt.f32.s32 v13;
	[tilespmem:s20+$0x4250] =	vst v9  }
0x185: {  	v14 =	vcvt.f32.s32 v14;
	v15 =	vcvt.f32.s32 v15;
	v16 =	vld [tilespmem:s19+$0x1200]  }
0x186: {  	v10 =	vmul.u32 $0x60, v10;
	v9 =	vmul.u32 $0x60, v11;
	v11 =	vmul.u32 $0x60, v12;
	v12 =	vld [tilespmem:s19+$0x1210]  }
0x187: {  	v13 =	vmul.u32 $0x60, v13;
	v14 =	vmul.u32 $0x60, v14;
	v17 =	vld [tilespmem:s19+$0x1220]  }
0x188: {  	v15 =	vmul.u32 $0x60, v15;
	v10 =	vadd.s32 v3, v10;
	v63 =	vld [tilespmem:s19+$0x1230]  }
0x189: {  	v13 =	vadd.s32 v6, v13;
	v62 =	vadd.s32 v4, v9;
	v9 =	vadd.s32 v7, v14;
	v14 =	vld [tilespmem:s19+$0x1240]  }
0x18a: {  	v15 =	vadd.s32 v8, v15;
	vm1 =	vlt.u32 v10, $0x1B0000;
	vm15 =	vlt.u32 v13, $0x1B0000  }
0x18b: {  	v10 =	vsel vm1, v10, v1;
	v13 =	vsel vm15, v13, v1;
	vm1 =	vlt.u32 v15, $0x1B0000  }
0x18c: {  	v16 =	vshrl.u32 v16, $0x5;
	v12 =	vshrl.u32 v12, $0x5;
	v17 =	vshrl.u32 v17, $0x5  }
0x18d: {  	v19 =	vshrl.u32 v63, $0x5;
	v16 =	vcvt.s32.f32 v16;
	v12 =	vcvt.s32.f32 v12  }
0x18e: {  	v17 =	vcvt.s32.f32 v17;
	v19 =	vcvt.s32.f32 v19;
	v14 =	vshrl.u32 v14, $0x5  }
0x18f: {  	v15 =	vsel vm1, v15, v1;
	v14 =	vcvt.s32.f32 v14;
	v16 =	vmul.f32 $3.333333430e-01, v16  }
0x190: {  	v11 =	vadd.s32 v5, v11;
	v12 =	vmul.f32 $3.333333430e-01, v12;
	v17 =	vmul.f32 $3.333333430e-01, v17  }
0x191: {  	vm2 =	vlt.u32 v62, $0x1B0000;
	v19 =	vmul.f32 $3.333333430e-01, v19;
	v14 =	vmul.f32 $3.333333430e-01, v14  }
0x192: {  	[tilespmem:s20+$0x4200] =	vst v10;
	vm3 =	vlt.u32 v11, $0x1B0000;
	v16 =	vtrunc.f32 v16;
	v20 =	vtrunc.f32 v12  }
0x193: {  	[tilespmem:s20+$0x4230] =	vst v13;
	v11 =	vsel vm3, v11, v1;
	v17 =	vtrunc.f32 v17;
	v10 =	vtrunc.f32 v19  }
0x194: {  	v18 =	vsel vm2, v62, v1;
	[tilespmem:s20+$0x4220] =	vst v11;
	v12 =	vcvt.f32.s32 v16;
	v11 =	vtrunc.f32 v14  }
0x195: {  	s26 =	simm.s32 $0x480;
	s25 =	simm.s32 $0xC0;
	vm0 =	vlt.u32 v9, $0x1B0000;
	[tilespmem:s20+$0x4210] =	vst v18;
	v14 =	vcvt.f32.s32 v20;
	v13 =	vcvt.f32.s32 v17  }
.LBB2_17:
0x196: {  	p0 =	sne.s32 s26, $0x1680;
	v16 =	vld [tilespmem:s25+$0x1250];
	v12 =	vmul.u32 $0x60, v12;
	v10 =	vcvt.f32.s32 v10;
	v11 =	vcvt.f32.s32 v11;
	[tilespmem:s19+$0x4250] =	vst v15  }
0x197: {  	v9 =	vsel vm0, v9, v1;
	v15 =	vld [tilespmem:s25+$0x1200];
	v14 =	vmul.u32 $0x60, v14;
	v13 =	vmul.u32 $0x60, v13  }
0x198: {  	v17 =	vld [tilespmem:s25+$0x1210];
	v12 =	vadd.s32 v3, v12;
	v10 =	vmul.u32 $0x60, v10;
	v11 =	vmul.u32 $0x60, v11;
	[tilespmem:s20+$0x4240] =	vst v9;
	s20 =	smov.u32 s19;
	s19 =	smov.u32 s25  }
0x199: {  	v18 =	vld [tilespmem:s19+$0x1220];
	vm2 =	vlt.u32 v12, $0x1B0000;
	v14 =	vadd.s32 v4, v14;
	v13 =	vadd.s32 v5, v13  }
0x19a: {  	v19 =	vld [tilespmem:s19+$0x1230];
	vm3 =	vlt.u32 v14, $0x1B0000;
	v10 =	vadd.s32 v6, v10;
	v9 =	vadd.s32 v7, v11  }
0x19b: {  	vm4 =	vlt.u32 v13, $0x1B0000;
	v11 =	vld [tilespmem:s19+$0x1240];
	v16 =	vshrl.u32 v16, $0x5;
	vm1 =	vlt.u32 v10, $0x1B0000  }
0x19c: {  	vm0 =	vlt.u32 v9, $0x1B0000;
	v15 =	vshrl.u32 v15, $0x5;
	v16 =	vcvt.s32.f32 v16  }
0x19d: {  	v12 =	vsel vm2, v12, v1;
	v15 =	vcvt.s32.f32 v15;
	v17 =	vshrl.u32 v17, $0x5  }
0x19e: {  	v17 =	vcvt.s32.f32 v17;
	v18 =	vshrl.u32 v18, $0x5;
	v16 =	vmul.f32 $3.333333430e-01, v16;
	[tilespmem:s20+$0x4200] =	vst v12  }
0x19f: {  	v12 =	vmul.f32 $3.333333430e-01, v15;
	v15 =	vcvt.s32.f32 v18;
	v18 =	vshrl.u32 v19, $0x5  }
0x1a0: {  	v18 =	vcvt.s32.f32 v18;
	v11 =	vshrl.u32 v11, $0x5;
	v16 =	vtrunc.f32 v16  }
0x1a1: {  	v14 =	vsel vm3, v14, v1;
	v11 =	vcvt.s32.f32 v11;
	v16 =	vcvt.f32.s32 v16  }
0x1a2: {  	v13 =	vsel vm4, v13, v1;
	v17 =	vmul.f32 $3.333333430e-01, v17;
	v15 =	vmul.f32 $3.333333430e-01, v15;
	[tilespmem:s20+$0x4210] =	vst v14  }
.Ltmp6:
0x1a3: {  	v14 =	vmul.f32 $3.333333430e-01, v18;
	v11 =	vmul.f32 $3.333333430e-01, v11;
	v16 =	vmul.u32 $0x60, v16;
	[tilespmem:s20+$0x4220] =	vst v13;
	(pc) =	sbr.rel @p0 .LBB2_17-.Ltmp6, $4  }
0x1a4: {  	v12 =	vtrunc.f32 v12;
	v13 =	vtrunc.f32 v17;
	v17 =	vsel vm1, v10, v1  }
0x1a5: {  	v15 =	vtrunc.f32 v15;
	v10 =	vtrunc.f32 v14;
	v16 =	vadd.s32 v8, v16;
	[tilespmem:s20+$0x4230] =	vst v17  }
0x1a6: {  	v12 =	vcvt.f32.s32 v12;
	v11 =	vtrunc.f32 v11;
	vm1 =	vlt.u32 v16, $0x1B0000  }
0x1a7: {  	s25 =	sshra.s32 s26, $0x2;
	s26 =	sadd.s32 $0x180, s26;
	v14 =	vcvt.f32.s32 v13;
	v13 =	vcvt.f32.s32 v15;
	v15 =	vsel vm1, v16, v1  }
0x1a8: {  	v16 =	vld [tilespmem:s25+$0x1250];
	[tilespmem:s19+$0x4250] =	vst v15  }
0x1a9: {  	v11 =	vcvt.f32.s32 v11;
	v9 =	vsel vm0, v9, v1;
	v15 =	vld [tilespmem:s25+$0x1200]  }
0x1aa: {  	v12 =	vmul.u32 $0x60, v12;
	v10 =	vcvt.f32.s32 v10;
	v17 =	vld [tilespmem:s25+$0x1210];
	[tilespmem:s20+$0x4240] =	vst v9  }
0x1ab: {  	v14 =	vmul.u32 $0x60, v14;
	v9 =	vmul.u32 $0x60, v11;
	v11 =	vld [tilespmem:s25+$0x1220]  }
0x1ac: {  	v13 =	vmul.u32 $0x60, v13;
	v12 =	vadd.s32 v3, v12;
	v10 =	vmul.u32 $0x60, v10;
	v18 =	vld [tilespmem:s25+$0x1230]  }
0x1ad: {  	v19 =	vld [tilespmem:s25+$0x1240];
	vm1 =	vlt.u32 v12, $0x1B0000;
	v14 =	vadd.s32 v4, v14  }
0x1ae: {  	v13 =	vadd.s32 v5, v13;
	vm2 =	vlt.u32 v14, $0x1B0000;
	v10 =	vadd.s32 v6, v10  }
0x1af: {  	v9 =	vadd.s32 v7, v9;
	v16 =	vshrl.u32 v16, $0x5;
	v15 =	vshrl.u32 v15, $0x5  }
0x1b0: {  	v16 =	vcvt.s32.f32 v16;
	v17 =	vshrl.u32 v17, $0x5;
	v15 =	vcvt.s32.f32 v15  }
0x1b1: {  	v17 =	vcvt.s32.f32 v17;
	v11 =	vshrl.u32 v11, $0x5;
	v18 =	vshrl.u32 v18, $0x5  }
0x1b2: {  	v19 =	vshrl.u32 v19, $0x5;
	v16 =	vmul.f32 $3.333333430e-01, v16;
	v11 =	vcvt.s32.f32 v11  }
0x1b3: {  	vm3 =	vlt.u32 v13, $0x1B0000;
	v18 =	vcvt.s32.f32 v18;
	v19 =	vcvt.s32.f32 v19  }
0x1b4: {  	v12 =	vsel vm1, v12, v1;
	v15 =	vmul.f32 $3.333333430e-01, v15;
	v17 =	vmul.f32 $3.333333430e-01, v17  }
0x1b5: {  	vm4 =	vlt.u32 v10, $0x1B0000;
	v16 =	vtrunc.f32 v16;
	v11 =	vmul.f32 $3.333333430e-01, v11  }
0x1b6: {  	vm9 =	vlt.u32 v9, $0x1B0000;
	v18 =	vmul.f32 $3.333333430e-01, v18;
	v19 =	vmul.f32 $3.333333430e-01, v19  }
0x1b7: {  	v14 =	vsel vm2, v14, v1;
	v16 =	vcvt.f32.s32 v16;
	v15 =	vtrunc.f32 v15  }
0x1b8: {  	v13 =	vsel vm3, v13, v1;
	v17 =	vtrunc.f32 v17;
	v11 =	vtrunc.f32 v11  }
0x1b9: {  	v10 =	vsel vm4, v10, v1;
	v18 =	vtrunc.f32 v18;
	v15 =	vcvt.f32.s32 v15  }
0x1ba: {  	v19 =	vtrunc.f32 v19;
	v58 =	vcvt.f32.s32 v17;
	v16 =	vmul.u32 $0x60, v16  }
0x1bb: {  	[tilespmem:s19+$0x4200] =	vst v12;
	v9 =	vsel vm9, v9, v1;
	v11 =	vcvt.f32.s32 v11;
	v60 =	vcvt.f32.s32 v18  }
0x1bc: {  	[tilespmem:s19+$0x4210] =	vst v14;
	v61 =	vcvt.f32.s32 v19;
	v15 =	vmul.u32 $0x60, v15;
	v16 =	vadd.s32 v8, v16  }
0x1bd: {  	[tilespmem:s19+$0x4220] =	vst v13;
	v12 =	vmul.u32 $0x60, v58;
	v11 =	vmul.u32 $0x60, v11;
	vm10 =	vlt.u32 v16, $0x1B0000  }
0x1be: {  	[tilespmem:s19+$0x4230] =	vst v10;
	v62 =	vmul.u32 $0x60, v60;
	v10 =	vadd.s32 v3, v15;
	v59 =	vsel vm10, v16, v1  }
0x1bf: {  	v13 =	vmul.u32 $0x60, v61;
	v12 =	vadd.s32 v4, v12;
	vm11 =	vlt.u32 v10, $0x1B0000;
	[tilespmem:s25+$0x4250] =	vst v59  }
0x1c0: {  	s13 =	sadd.s32 $0x1, s13;
	vm12 =	vlt.u32 v12, $0x1B0000;
	v10 =	vsel vm11, v10, v1;
	[tilespmem:s19+$0x4240] =	vst v9;
	v9 =	vadd.s32 v5, v11  }
0x1c1: {  	p0 =	sne.s32 s13, $0x24;
	v11 =	vadd.s32 v6, v62;
	vm13 =	vlt.u32 v9, $0x1B0000;
	[tilespmem:s25+$0x4200] =	vst v10;
	v10 =	vsel vm12, v12, v1  }
.Ltmp7:
0x1c2: {  	v63 =	vadd.s32 v7, v13;
	vm14 =	vlt.u32 v11, $0x1B0000;
	[tilespmem:s25+$0x4210] =	vst v10;
	v9 =	vsel vm13, v9, v1;
	(pc) =	sbr.rel @p0 .LBB2_10-.Ltmp7, $4  }
0x1c3: {  	vm15 =	vlt.u32 v63, $0x1B0000;
	[tilespmem:s25+$0x4220] =	vst v9;
	v9 =	vsel vm14, v11, v1  }
0x1c4: {  	[tilespmem:s25+$0x4230] =	vst v9;
	v9 =	vsel vm15, v63, v1  }
0x1c5: {  	[tilespmem:s25+$0x4240] =	vst v9  }
0x1c6: {  	[spmem:s2] =	stream.indirect.scatter.add.f32 [tilespmem:s28], [sflag:$0x9], $0x1, s7, s15, $0xb8;
	[tilespmem:$0x1FE10] =	vst v63  }
0x1c7: {  	_ =	swait.ge [sflag:s0], $0x600  }
0x1c8: {  	[sflag:s0] =	ssyncset.done $0x0  }
0x1c9: {  	[sflag:s0] =	ssyncadd.s32 $0xFFFFFA00  }
0x1ca: {  	_ =	swait.ge [sflag:s0], $0x600  }
0x1cb: {  	[sflag:s0] =	ssyncset.done $0x0  }
0x1cc: {  	[sflag:s0] =	ssyncadd.s32 $0xFFFFFA00  }
0x1cd: {  	_ =	swait.ge [sflag:s0], $0x600  }
0x1ce: {  	[sflag:s0] =	ssyncset.done $0x0;
	s9 =	rddreg [dreg:$0xd]  }
0x1cf: {  	s25 =	stileid.u32;
	s13 =	rddreg [dreg:$0xf];
	[sflag:s0] =	ssyncadd.s32 $0xFFFFFA00  }
0x1d0: {  	s31 =	simm.s32 $0xB;
	s9 =	sadd.s32 s13, s9;
	[bflag:$0x0] =	sbarrier.arrive $0xFFFF  }
0x1d1: {  	s13 =	sshll.u32 s25, $0x6;
	s9 =	sshrl.u32 s9, $0x3;
	s19 =	rddreg [dreg:$0x1]  }
0x1d2: {  	s13 =	sor.u32 $0x1C0B, s13;
	s26 =	rddreg [dreg:$0x9];
	s9 =	sadd.s32 s19, s9  }
0x1d3: {  	[hbm:s9], [sflag:s13] =	dma.local [spmem:s26], $0x3600  }
0x1d4: {  	_ =	swait.ge [sflag:s31], $0x3600  }
0x1d5: {  	s20 =	rddreg [dreg:$0xe]  }
0x1d6: {  	s20 =	sadd.s32 $0x1, s20  }
0x1d7: {  	p0 =	sne.s32 s20, $0x4  }
.Ltmp8:
0x1d8: {  	_ = 	snop;
	(pc) =	sbr.rel @p0 .LBB2_5-.Ltmp8, $4  }
0x1d9: {  	[sflag:s31] =	ssyncset.done $0x0  }
0x1da: {  	[sflag:s31] =	ssyncadd.s32 $0xFFFFCA00  }
0x1db: {  	[bflag:$0x0] =	sbarrier.arrive $0xFFFF  }
0x1dc: {  	s19 =	simm.s32 $0x4800  }
0x1dd: {  	s8 =	rddreg [dreg:$0xa]  }
0x1de: {  	s8 =	sadd.s32 $0x1, s8  }
0x1df: {  	p0 =	sne.s32 s8, $0x4  }
.Ltmp9:
0x1e0: {  	_ = 	snop;
	(pc) =	sbr.rel @p0 .LBB2_4-.Ltmp9, $1  }
0x1e1: {  	_ =	sdelay $0x3  }
0x1e2: {  	s8 =	rddreg [dreg:$0x4]  }
0x1e3: {  	s1 =	rddreg [dreg:$0x8];
	s8 =	sadd.s32 $0x1, s8  }
0x1e4: {  	p0 =	sne.s32 s8, s1  }
.Ltmp10:
0x1e5: {  	_ = 	snop;
	(pc) =	sbr.rel @p0 .LBB2_1-.Ltmp10, $1  }
0x1e6: {  	_ =	sdelay $0x3  }
0x1e7: {  	_ =	sfence.sel $0x180000  }
0x1e8: {  	[bflag:$0x0] =	sbarrier.arrive $0xFFFF  }
0x1e9: {  	_ =	strace $0x90000047  }
0x1ea: {  	s0 =	stileid.u32;
	[bflag:$0x2] =	sbarrier.arrive $0xFFFF  }
0x1eb: {  	p0 =	sne.s32 s0, $0x0;
	s0 =	rddreg [dreg:$0x3]  }
0x1ec: {  	s0 =	sadd.s32 @!p0 $0x100000, s0  }
0x1ed: {  	[sflag:s0] =	ssyncadd.tile.s32 @!p0 $0x1;
	_ =	shalt  }
.Lfunc_end2:
_tile_overlayer_lowered:
.L_overlay_start_2:
0x1ee: {  	(tag) =	ssettag $0x2  }
0x1ef: {  	s0 =	rddreg [dreg:$0x0];
	s2 =	stileid.u32  }
0x1f0: {  	s1 =	rddreg [dreg:$0x1];
	p0 =	sne.s32 s2, $0x0  }
0x1f1: {  	s3 =	rddreg [dreg:$0x2];
	[bflag:$0x3] =	sbarrier.arrive $0xFFFF;
	s2 =	simm.s32 @!p0 $0x1C0C  }
0x1f2: {  	[timem:s3], [sflag:s2] =	dma.local @!p0 [hbm:s0], s1  }
0x1f3: {  	s0 =	simm.s32 @!p0 $0xC  }
0x1f4: {  	_ =	swait.ge @!p0 [sflag:s0], s1  }
0x1f5: {  	s1 =	ssub.s32 @!p0 $0x0, s1;
	[sflag:s0] =	ssyncset.done @!p0 $0x0  }
0x1f6: {  	[sflag:s0] =	ssyncadd.s32 @!p0 s1  }
0x1f7: {  	[bflag:$0x3] =	sbarrier.arrive $0xFFFF  }
0x1f8: {  	_ =	shalt  }

// kernel: sparse-core-data-format-call.cloned.1.call-start
scs
called_computation_lowered:
.L_overlay_start_0:
0x0: {  	s2 =	sld [smem:$0x3FD9]  }
0x1: {  	s3 =	sld [smem:$0x3FFE];
	_ =	sdelay $0x1  }
0x2: {  	s1 =	srdreg.scid  }
0x3: {  	s0 =	sand.u32 $0x1, s1  }
0x4: {  	s18 =	sshll.u32 s0, $0xA;
	s2 =	sadd.s32 s3, s2  }
0x5: {  	s2 =	sadd.s32 s2, s18  }
0x6: {  	[smem:$0x3FC6] =	sst s2  }
0x7: {  	_ = 	snop  }
0x8: {  	s2 =	sld [smem:$0x3FD0];
	(tm) =	ssettm $0x1  }
0x9: {  	s19 =	sld [smem:$0x3FFB];
	_ =	sdelay $0x3  }
0xa: {  	_ =	strace s19  }
0xb: {  	s3 =	sld [smem:$0x3FFC];
	_ =	sdelay $0x3  }
0xc: {  	_ =	strace s3  }
0xd: {  	s3 =	sld [smem:$0x3FFD];
	_ =	sdelay $0x3  }
0xe: {  	_ =	strace s3  }
0xf: {  	_ =	strace $0x8FFFFFFF  }
0x10: {  	s20 =	sld [smem:$0x3FDB];
	_ =	sdelay $0x1  }
0x11: {  	s4 =	simm.s32 $_scs_section_size  }
0x12: {  	s5 =	simm.s32 $_size__tile_overlayer_lowered;
	s6 =	simm.s32 $_tile_overlayer_lowered  }
0x13: {  	s23 =	simm.s32 $0x1BFF;
	s22 =	sshll.u32 s6, $0x1;
	s3 =	sadd.s32 s4, s20  }
0x14: {  	s7 =	simm.s32 $0x0;
	s21 =	sshll.u32 s5, $0x1;
	s5 =	sadd.s32 s22, s3  }
0x15: {  	[timem:s7], [sflag:s23] =	dma.local [hbm:s5], s21  }
0x16: {  	_ =	swait.ge [sflag:s23], s21  }
0x17: {  	s4 =	ssub.s32 $0x0, s21;
	[sflag:s23] =	ssyncset.done $0x0  }
0x18: {  	[sflag:s23] =	ssyncadd.s32 s4;
	_ =	sdelay $0x1  }
0x19: {  	s24 =	simm.s32 $0x1B8B  }
0x1a: {  	_ =	swait.ge [sflag:s24], $0x1  }
0x1b: {  	[sflag:s24] =	ssyncset.done $0x0  }
0x1c: {  	s26 =	simm.s32 $0x1B8E;
	s25 =	sld [smem:$0x3FFE];
	[sflag:s24] =	ssyncadd.s32 $0xFFFFFFFF  }
0x1d: {  	s27 =	simm.s32 $execute0_lowered;
	[smem:$0x3FD2] =	sst s26  }
0x1e: {  	s5 =	sshll.u32 s27, $0x1;
	_ =	strace $0x80000049;
	[dreg:$0x1] =	wrdreg $0xFFFFFFFF  }
0x1f: {  	s28 =	simm.s32 $_size_execute0_lowered;
	s3 =	sadd.s32 s3, s5;
	[dreg:$0x0] =	wrdreg $0x0  }
0x20: {  	s5 =	sshll.u32 s28, $0x1;
	[dreg:$0x2] =	wrdreg s3  }
0x21: {  	[dreg:$0x3] =	wrdreg s5  }
0x22: {  	[dreg:$0x4] =	wrdreg $0xC0  }
0x23: {  	_ =	task [dreg:s7], $0x5FFFF  }
0x24: {  	[dreg:$0x1] =	wrdreg $0xFFFFFFFF  }
0x25: {  	[dreg:$0x0] =	wrdreg $0x60  }
0x26: {  	[dreg:$0x2] =	wrdreg s25  }
0x27: {  	[dreg:$0x3] =	wrdreg s2  }
0x28: {  	[dreg:$0x4] =	wrdreg $0x9  }
0x29: {  	_ =	task.clear_ibuf [dreg:s7], $0x5FFFF;
	_ =	strace $0x90000049  }
0x2a: {  	s29 =	simm.s32 $0x9;
	_ =	strace $0x8000004B  }
0x2b: {  	_ =	swait.ge [sflag:s29], $0x1  }
0x2c: {  	[sflag:s29] =	ssyncadd.s32 $0xFFFFFFFF  }
0x2d: {  	_ =	strace $0x9000004B  }
0x2e: {  	_ =	sfence  }
0x2f: {  	s30 =	sld [smem:$0x0];
	_ =	sdelay $0x2  }
0x30: {  	s31 =	sshll.u32 s1, $0xD;
	s1 =	sshrl.u32 s1, $0x2  }
0x31: {  	s3 =	sand.u32 $0x4000, s31;
	s1 =	sadd.s32 s1, s30  }
0x32: {  	s0 =	sor.u32 s3, s0;
	s1 =	sshll.u32 s1, $0x11  }
0x33: {  	s0 =	sor.u32 s1, s0  }
0x34: {  	s0 =	sadd.s32 $0x8F2B, s0  }
0x35: {  	[sflag:s0] =	ssyncadd.remote.s32 $0x1  }
0x36: {  	_ =	sfence.sel $0xFFFF  }
0x37: {  	[dreg:$0x0] =	wrdreg $0xFFFFFFFF;
	(pc) =	sbr.abs _section_cstart, $3  }
0x38: {  	[dreg:$0x1] =	wrdreg $0xFFFFFFFF  }
0x39: {  	_ =	task.clear_ibuf [dreg:s7], $0x2FFFF;
	_ =	strace $0x9FFFFFFF  }
0x3a: {  	(tm) =	ssettm $0x7FFFFFFF  }
0x3b: {  	_ =	shalt  }
tec
execute0_lowered:
.L_overlay_start_1:
0x0: {  	(tag) =	ssettag $0x1  }
0x1: {  	s3 =	rddreg [dreg:$0x0]  }
0x2: {  	s2 =	rddreg [dreg:$0x1]  }
0x3: {  	s1 =	srdreg.scid;
	s0 =	rddreg [dreg:$0x2];
	_ =	strace $0x8000004A  }
0x4: {  	s7 =	simm.s32 $0x2;
	s15 =	simm.s32 $0x0;
	p0 =	por $0x0, $0x0  }
0x5: {  	s16 =	simm.s32 $0x0;
	s17 =	simm.s32 $0x0;
	s8 =	simm.s32 $0x0  }
0x6: {  	s10 =	simm.s32 $0x0;
	s11 =	simm.s32 $0x0;
	s12 =	simm.s32 $0x0  }
.Ltmp0:
0x7: {  	s9 =	simm.s32 $0x0;
	s4 =	sshll.u32 s1, $0x4;
	(pc) =	sbr.rel .LBB1_1-.Ltmp0, $4  }
0x8: {  	s1 =	stileid.u32;
	s3 =	sadd.s32 $0x800, s3;
	s4 =	sand.u32 $0x10, s4  }
0x9: {  	s5 =	sand.u32 $0x3, s1;
	s6 =	sor.u32 s1, s4;
	s4 =	simm.s32 $0x1  }
0xa: {  	s14 =	smov.u32 s5;
	[sflag:s4] =	ssyncpa.u1 $0x0;
	s6 =	sshrl.u32 s6, $0x2  }
0xb: {  	[sflag:s7] =	ssyncpa.u1 $0x0;
	s7 =	simm.s32 $0xC00;
	s13 =	smov.u32 s6  }
.LBB1_5:
0xc: {  	p1 =	slt.u32 s9, $0x2;
	s18 =	smov.u32 s17  }
0xd: {  	p2 =	sgt.s32 @!p1 s17, $0x3;
	s19 =	sshra.s32 @!p1 s17, $0x1F;
	s20 =	sshra.s32 @!p1 s16, $0x1F  }
0xe: {  	p2 =	por !p2, p1;
	s17 =	sand.u32 @!p1 s19, s17;
	s19 =	smov.u32 s16  }
0xf: {  	s18 =	simm.s32 @p2 $0x3;
	p2 =	sgt.s32 @!p1 s16, $0x17F;
	s16 =	sand.u32 @!p1 s20, s16  }
0x10: {  	s20 =	sshra.s32 @!p1 s15, $0x1F;
	s17 =	ssub.s32 @!p1 s18, s17;
	p3 =	por !p2, p1  }
0x11: {  	s18 =	sadd.s32 @!p1 $0xFFFFFFFD, s17;
	s19 =	simm.s32 @p3 $0x17F;
	s17 =	ssub.s32 @!p1 $0x4, s17  }
0x12: {  	p3 =	sgt.s32 @!p1 s15, $0x100;
	p2 =	sgt.s32 @!p1 s18, $0x0;
	s16 =	ssub.s32 @!p1 s19, s16  }
0x13: {  	p3 =	por !p3, p1;
	s19 =	smov.u32 s15;
	s15 =	sand.u32 @!p1 s20, s15  }
0x14: {  	s17 =	smul.u32 @!p1 $0x60, s17;
	s18 =	sadd.s32 @!p1 $0xFFFFFE81, s16;
	s19 =	simm.s32 @p3 $0x100  }
0x15: {  	s16 =	ssub.s32 @!p1 $0x180, s16;
	p3 =	sgt.s32 @!p1 s18, $0x0;
	s15 =	ssub.s32 @!p1 s19, s15  }
0x16: {  	p2 =	por !p2, p1;
	p3 =	por !p3, p1;
	s18 =	sadd.s32 @!p1 $0xFFFFFF00, s15  }
0x17: {  	s17 =	simm.s32 @!p2 $0x0;
	s16 =	simm.s32 @!p3 $0x0;
	p3 =	sgt.s32 @!p1 s18, $0x7F  }
0x18: {  	s15 =	ssub.s32 @!p1 $0x180, s15;
	p2 =	por !p3, p1;
	s16 =	smul.u32 @!p1 s16, s17  }
0x19: {  	s19 =	smov.u32 s13;
	s18 =	sadd.s32 $0x80, s12;
	s15 =	simm.s32 @!p2 $0x0  }
0x1a: {  	p2 =	sgt.s32 s18, $0x17F;
	s15 =	smul.u32 @!p1 s15, s16;
	s16 =	sadd.s32 $0x8, s13  }
0x1b: {  	s19 =	smov.u32 @p2 s16  }
0x1c: {  	s21 =	smov.u32 s14;
	s16 =	sadd.s32 $0x4, s14;
	p3 =	sgt.s32 s19, $0x17F  }
0x1d: {  	s9 =	sadd.s32 $0x1, s9;
	p0 =	por !p0, !p0;
	s21 =	smov.u32 @p3 s16  }
0x1e: {  	s20 =	simm.s32 @!p1 $0x2;
	s18 =	simm.s32 @p2 $0x0;
	p2 =	sgt.s32 s21, $0x3  }
0x1f: {  	s17 =	smov.u32 s11;
	s21 =	smov.u32 @p2 s5;
	p2 =	sne.s32 s9, $0x92  }
.Ltmp1:
0x20: {  	s11 =	smov.u32 s14;
	s15 =	sand.u32 @!p1 $0x3FFFFFE0, s15;
	(pc) =	sbr.rel @!p2 .LBB1_6-.Ltmp1, $4  }
0x21: {  	_ =	swait.ge @!p1 [sflag:s20], s15;
	s22 =	ssub.s32 @!p1 $0x0, s15;
	s15 =	smov.u32 s8  }
0x22: {  	s16 =	smov.u32 s10;
	s19 =	smov.u32 @p3 s6;
	s8 =	smov.u32 s12  }
0x23: {  	s10 =	smov.u32 s13;
	s12 =	smov.u32 s18;
	[sflag:s20] =	ssyncset.done @!p1 $0x0  }
0x24: {  	s13 =	smov.u32 s19;
	[sflag:s20] =	ssyncadd.s32 @!p1 s22;
	s14 =	smov.u32 s21  }
.LBB1_1:
0x25: {  	p1 =	sgt.u32 s9, $0x8F  }
0x26: {  	s18 =	sand.u32 @!p1 $0x1FFFFFF, s12  }
0x27: {  	s19 =	smulhi.u32 @!p1 $0xAAAAAB, s18  }
0x28: {  	s20 =	smul.u32 @!p1 $0x240000, s14  }
0x29: {  	s19 =	smul.u32 @!p1 $0x180, s19  }
0x2a: {  	s21 =	smul.u32 @!p1 $0x1800, s13  }
0x2b: {  	s20 =	sadd.s32 @!p1 s3, s20;
	s18 =	ssub.s32 @!p1 s18, s19;
	s19 =	sxor.u32 @!p1 $0xFFFFFFFF, s9  }
0x2c: {  	s20 =	sadd.s32 @!p1 s21, s20;
	s19 =	sshll.u32 @!p1 s19, $0xE;
	s18 =	sshll.u32 @!p1 s18, $0x4  }
0x2d: {  	s19 =	sand.u32 @!p1 $0x4000, s19;
	s18 =	sadd.s32 @!p1 s18, s20;
	s20 =	simm.s32 @!p1 $0x0  }
0x2e: {  	[tilespmem:s19], [sflag:$0x1] =	stream.linear.gather @!p1 [hbm4b:s18+s20], $0x4000, $0x38;
	[tilespmem:$0x10100] =	vst v63  }
0x2f: {  	p1 =	seq.s32 s9, $0x0  }
0x30: {  	p2 =	seq.s32 @!p1 s9, $0x91  }
0x31: {  	p1 =	por p1, p2  }
.Ltmp2:
0x32: {  	_ = 	snop;
	(pc) =	sbr.rel @p1 .LBB1_5-.Ltmp2, $1  }
0x33: {  	_ =	sdelay $0x3  }
0x34: {  	s18 =	simm.s32 $0x1  }
0x35: {  	_ =	swait.ge [sflag:s4], $0x4000;
	s18 =	simm.s32 @!p0 $0x0  }
0x36: {  	[sflag:s4] =	ssyncset.done $0x0;
	s19 =	sshll.u32 s18, $0xE  }
0x37: {  	[sflag:s4] =	ssyncadd.s32 $0xFFFFC000;
	s19 =	sor.u32 $0x40, s19  }
0x38: {  	s18 =	smul.u32 $0x10200, s18;
	v0 =	vld [tilespmem:s19+$0x30]  }
0x39: {  	v1 =	vld [tilespmem:s19+$0xFFFFFFD0]  }
0x3a: {  	s18 =	sshrl.u32 s18, $0x2;
	v5 =	vld [tilespmem:s19+$0xFFFFFFE0]  }
0x3b: {  	v6 =	vld [tilespmem:s19+$0xFFFFFFF0];
	s21 =	sor.u32 $0x8000, s18  }
0x3c: {  	s31 =	sand.u32 $0x1, s9;
	v4 =	vld [tilespmem:s19+$0x0];
	s20 =	sadd.s32 $0x0, s21  }
0x3d: {  	v3 =	vld [tilespmem:s19+$0x10];
	s18 =	smul.u32 $0x10200, s31;
	[tilespmem:s20+$0x3870 ss:$0x81] =	vst.msk $0xffff, v0  }
0x3e: {  	v2 =	vld [tilespmem:s19+$0x20];
	[tilespmem:s20+$0x810 ss:$0x81] =	vst.msk $0xffff, v1  }
0x3f: {  	s18 =	sshrl.u32 s18, $0x2;
	v1 =	vld [tilespmem:s19+$0xFFFFFFC0];
	[tilespmem:s20+$0x1020 ss:$0x81] =	vst.msk $0xffff, v5;
	s19 =	sadd.s32 $0x80, s19  }
0x40: {  	s22 =	simm.s32 $0x4;
	s23 =	simm.s32 $0x8;
	s18 =	sor.u32 $0x8000, s18;
	[tilespmem:s20+$0x1830 ss:$0x81] =	vst.msk $0xffff, v6;
	v0 =	vld [tilespmem:s19+$0x30]  }
.LBB1_3:
0x41: {  	p1 =	sne.s32 s23, $0x1FC;
	v5 =	vld [tilespmem:s19+$0xFFFFFFD0];
	[tilespmem:s20+$0x2040 ss:$0x81] =	vst.msk $0xffff, v4  }
0x42: {  	v6 =	vld [tilespmem:s19+$0xFFFFFFE0];
	[tilespmem:s20+$0x2850 ss:$0x81] =	vst.msk $0xffff, v3  }
0x43: {  	s24 =	sshra.s32 s22, $0x2;
	s22 =	smov.u32 s23;
	v7 =	vld [tilespmem:s19+$0xFFFFFFF0];
	[tilespmem:s20+$0x3060 ss:$0x81] =	vst.msk $0xffff, v2  }
.Ltmp3:
0x44: {  	v4 =	vld [tilespmem:s19+$0x0];
	[tilespmem:s20+$0x0 ss:$0x81] =	vst.msk $0xffff, v1;
	s20 =	sadd.s32 s24, s21;
	(pc) =	sbr.rel @p1 .LBB1_3-.Ltmp3, $4  }
0x45: {  	v3 =	vld [tilespmem:s19+$0x10];
	[tilespmem:s20+$0x3870 ss:$0x81] =	vst.msk $0xffff, v0  }
0x46: {  	[tilespmem:s20+$0x810 ss:$0x81] =	vst.msk $0xffff, v5;
	v2 =	vld [tilespmem:s19+$0x20]  }
0x47: {  	v1 =	vld [tilespmem:s19+$0xFFFFFFC0];
	[tilespmem:s20+$0x1020 ss:$0x81] =	vst.msk $0xffff, v6;
	s19 =	sadd.s32 $0x80, s19  }
0x48: {  	s23 =	sadd.s32 $0x4, s23;
	v0 =	vld [tilespmem:s19+$0x30];
	[tilespmem:s20+$0x1830 ss:$0x81] =	vst.msk $0xffff, v7  }
0x49: {  	s23 =	sshll.u32 s8, $0x3  }
0x4a: {  	s24 =	sand.u32 $0x7F, s8;
	s22 =	sshra.s32 s22, $0x2;
	s23 =	sand.u32 $0xFFFFFC00, s23  }
0x4b: {  	p1 =	sgt.s32 s11, $0x3;
	s24 =	sor.u32 s24, s23;
	s23 =	smulhi.u32 $0xAAAAAAAB, s23  }
0x4c: {  	s26 =	sshra.s32 s11, $0x1F;
	s28 =	sshra.s32 s10, $0x1F;
	s25 =	smulhi.u32 $0xAAAAAAAB, s24  }
0x4d: {  	s21 =	sadd.s32 s22, s21;
	s26 =	sand.u32 s26, s11;
	s28 =	sand.u32 s28, s10  }
0x4e: {  	[tilespmem:s20+$0x2040 ss:$0x81] =	vst.msk $0xffff, v4;
	s23 =	sshrl.u32 s23, $0x8;
	s30 =	sshrl.u32 s25, $0x8;
	s25 =	smov.u32 s11  }
0x4f: {  	[tilespmem:s20+$0x2850 ss:$0x81] =	vst.msk $0xffff, v3;
	s27 =	smulhi.u32 $0x2AAAAAB, s23;
	s25 =	simm.s32 @!p1 $0x3;
	p1 =	sgt.s32 s10, $0x17F  }
0x50: {  	[tilespmem:s20+$0x3060 ss:$0x81] =	vst.msk $0xffff, v2;
	s22 =	smul.u32 $0x180, s30;
	s25 =	ssub.s32 s25, s26;
	s26 =	smov.u32 s10  }
0x51: {  	[tilespmem:s20+$0x0 ss:$0x81] =	vst.msk $0xffff, v1;
	s20 =	smov.u32 s8;
	s27 =	smul.u32 $0x60, s27;
	s26 =	simm.s32 @!p1 $0x17F  }
0x52: {  	v5 =	vld [tilespmem:s19+$0xFFFFFFD0];
	s31 =	sadd.s32 $0xFFFFFFFD, s25;
	s25 =	ssub.s32 $0x4, s25;
	s26 =	ssub.s32 s26, s28  }
0x53: {  	v58 =	vld [tilespmem:s19+$0xFFFFFFE0];
	s30 =	sshra.s32 s8, $0x1F;
	s25 =	smul.u32 $0x60, s25;
	s29 =	sadd.s32 $0xFFFFFE81, s26  }
0x54: {  	v59 =	vld [tilespmem:s19+$0xFFFFFFF0];
	p1 =	sgt.s32 s31, $0x0;
	s26 =	ssub.s32 $0x180, s26;
	p2 =	sgt.s32 s29, $0x0  }
0x55: {  	v60 =	vld [tilespmem:s19+$0x0];
	s25 =	simm.s32 @p1 $0x0;
	s26 =	simm.s32 @p2 $0x0;
	p2 =	sgt.s32 s8, $0x100  }
0x56: {  	v61 =	vld [tilespmem:s19+$0x10];
	[tilespmem:s21+$0x3870 ss:$0x81] =	vst.msk $0xffff, v0;
	s28 =	sand.u32 s30, s8;
	s20 =	simm.s32 @!p2 $0x100;
	s31 =	smul.u32 s26, s25  }
0x57: {  	v62 =	vld [tilespmem:s19+$0x20];
	[tilespmem:s21+$0x810 ss:$0x81] =	vst.msk $0xffff, v5;
	s25 =	ssub.s32 s23, s27;
	s27 =	smul.u32 $0x1B0000, s11;
	s20 =	ssub.s32 s20, s28  }
0x58: {  	v63 =	vld [tilespmem:s19+$0xFFFFFFC0];
	[tilespmem:s21+$0x1020 ss:$0x81] =	vst.msk $0xffff, v58;
	s22 =	ssub.s32 s24, s22;
	s28 =	smul.u32 $0x1200, s10;
	s26 =	sadd.s32 $0xFFFFFF00, s20  }
0x59: {  	[tilespmem:s21+$0x1830 ss:$0x81] =	vst.msk $0xffff, v59;
	s19 =	smul.u32 $0x30, s25;
	s20 =	ssub.s32 $0x180, s20;
	p1 =	sgt.s32 s26, $0x7F  }
.Ltmp4:
0x5a: {  	[tilespmem:s21+$0x2040 ss:$0x81] =	vst.msk $0xffff, v60;
	s25 =	sadd.s32 s2, s27;
	s20 =	simm.s32 @p1 $0x0;
	(pc) =	sbr.rel .LBB1_5-.Ltmp4, $4  }
0x5b: {  	[tilespmem:s21+$0x2850 ss:$0x81] =	vst.msk $0xffff, v61;
	s29 =	sand.u32 $0x7, s22;
	s23 =	sadd.s32 s28, s25;
	s20 =	smul.u32 s20, s31  }
0x5c: {  	[tilespmem:s21+$0x3060 ss:$0x81] =	vst.msk $0xffff, v62;
	s22 =	sshrl.u32 s22, $0x3;
	s30 =	sshll.u32 s29, $0x12;
	s19 =	sadd.s32 s19, s23  }
0x5d: {  	[tilespmem:s21+$0x0 ss:$0x81] =	vst.msk $0xffff, v63;
	s19 =	sadd.s32 s22, s19;
	s31 =	sor.u32 $0x400, s30;
	s20 =	sand.u32 $0x3FFFFFE0, s20  }
0x5e: {  	[hbm4b:s19+s31] =	stream.strided.scatter [tilespmem:s18], [sflag:$0x2], s20, s7, s31, $0x20;
	[tilespmem:$0x10100] =	vst v63  }
.LBB1_6:
0x5f: {  	_ =	sfence.sel $0x180000  }
0x60: {  	s2 =	simm.s32 $0x1;
	[bflag:$0x0] =	sbarrier.arrive $0xFFFF  }
0x61: {  	s31 =	simm.s32 $0x2;
	[sflag:s2] =	ssyncpa.u1 $0x1  }
0x62: {  	[sflag:s31] =	ssyncpa.u1 $0x1  }
0x63: {  	p0 =	sne.s32 s1, $0x0;
	_ =	strace $0x9000004A  }
0x64: {  	s0 =	sadd.s32 @!p0 $0x100000, s0;
	[bflag:$0x2] =	sbarrier.arrive $0xFFFF  }
0x65: {  	[sflag:s0] =	ssyncadd.tile.s32 @!p0 $0x1;
	_ =	shalt  }
.Lfunc_end1:
_tile_overlayer_lowered:
.L_overlay_start_2:
0x66: {  	(tag) =	ssettag $0x2  }
0x67: {  	s0 =	rddreg [dreg:$0x0];
	s2 =	stileid.u32  }
0x68: {  	s1 =	rddreg [dreg:$0x1];
	p0 =	sne.s32 s2, $0x0  }
0x69: {  	s3 =	rddreg [dreg:$0x2];
	[bflag:$0x3] =	sbarrier.arrive $0xFFFF;
	s2 =	simm.s32 @!p0 $0x1C01  }
0x6a: {  	[timem:s3], [sflag:s2] =	dma.local @!p0 [hbm:s0], s1  }
0x6b: {  	s0 =	simm.s32 @!p0 $0x1  }
0x6c: {  	_ =	swait.ge @!p0 [sflag:s0], s1  }
0x6d: {  	s1 =	ssub.s32 @!p0 $0x0, s1;
	[sflag:s0] =	ssyncset.done @!p0 $0x0  }
0x6e: {  	[sflag:s0] =	ssyncadd.s32 @!p0 s1  }
0x6f: {  	[bflag:$0x3] =	sbarrier.arrive $0xFFFF  }
0x70: {  	_ =	shalt  }

</sc_bundles>
